<compile_context>
chip_gen: v7x
topology: tpu7x:2x2x1
jax: 0.10.2.dev20260603
libtpu: 0.0.44.dev20260713+nightly
codegen_flags: <defaults>
</compile_context>

<pallas_src>
import functools

import jax
import jax.numpy as jnp
from jax import lax
from jax.experimental import pallas as pl
from jax.experimental.pallas import tpu as pltpu
from jax.experimental.pallas import tpu_sc as plsc

N_NODES = 10000
E = 320000
D = 128

NC = 2
NS = 16
NW = NC * NS

CHUNK = 128
EDGES_PER_W = -(-E // (NW * CHUNK)) * CHUNK
NCHUNK = EDGES_PER_W // CHUNK
E_PAD = EDGES_PER_W * NW


def _sc_kernel_body(x_hbm, src_hbm, dst_hbm, out_hbm,
                    idx_src_v, idx_dst_v, src_rows, dst_rows, out_v, tr,
                    sem_s, sem_d):
    wid = lax.axis_index("s") * NC + lax.axis_index("c")

    pltpu.sync_copy(src_hbm.at[wid], idx_src_v)
    pltpu.sync_copy(dst_hbm.at[wid], idx_dst_v)

    def chunk_body(c, _):
        cp_s = pltpu.async_copy(x_hbm.at[idx_src_v.at[c]], src_rows, sem_s)
        cp_d = pltpu.async_copy(x_hbm.at[idx_dst_v.at[c]], dst_rows, sem_d)
        cp_s.wait()
        cp_d.wait()

        lane16 = lax.iota(jnp.int32, 16) * 16

        def group_body(g, _):
            for el in range(16):
                e = g * 16 + el
                acc = jnp.zeros((16,), jnp.float32)
                for j in range(D // 16):
                    s = src_rows[e, pl.ds(j * 16, 16)]
                    d = dst_rows[e, pl.ds(j * 16, 16)]
                    acc = acc + s * d
                tr[pl.ds(el * 16, 16)] = acc

            tot = jnp.zeros((16,), jnp.float32)
            for f in range(16):
                tot = tot + plsc.load_gather(tr, [lane16 + f])
            out_v[c, pl.ds(g * 16, 16)] = tot
            return 0

        lax.fori_loop(0, CHUNK // 16, group_body, 0)
        return 0

    lax.fori_loop(0, NCHUNK, chunk_body, 0)

    pltpu.sync_copy(out_v, out_hbm.at[wid])


@jax.jit
def kernel(x1, x2, edge_index):
    x = jnp.concatenate([x1, x2], axis=0)
    pad = E_PAD - E
    src = jnp.pad(edge_index[0], (0, pad)).reshape(NW, NCHUNK, CHUNK)
    dst = jnp.pad(edge_index[1], (0, pad)).reshape(NW, NCHUNK, CHUNK)

    mesh = plsc.VectorSubcoreMesh(core_axis_name="c", subcore_axis_name="s")
    run = pl.kernel(
        _sc_kernel_body,
        out_type=jax.ShapeDtypeStruct((NW, NCHUNK, CHUNK), jnp.float32),
        mesh=mesh,
        compiler_params=pltpu.CompilerParams(needs_layout_passes=False),
        scratch_types=[
            pltpu.VMEM((NCHUNK, CHUNK), jnp.int32),
            pltpu.VMEM((NCHUNK, CHUNK), jnp.int32),
            pltpu.VMEM((CHUNK, D), jnp.float32),
            pltpu.VMEM((CHUNK, D), jnp.float32),
            pltpu.VMEM((NCHUNK, CHUNK), jnp.float32),
            pltpu.VMEM((256,), jnp.float32),
            pltpu.SemaphoreType.DMA,
            pltpu.SemaphoreType.DMA,
        ],
    )
    out = run(x, src, dst)
    return out.reshape(E_PAD)[:E]

# --- scband reference (transcript-rebuilt; emitter-appended) ---
"""Pipeline reference for scband-join-able-50414326121243 (READ-ONLY COPY).

The authoritative reference and input builder live on the scoring server;
editing this copy changes nothing except your own understanding.
"""

import jax, jax.numpy as jnp
import numpy as np

N1 = 5000
N2 = 5000
E = 320000
D = 128

def setup_inputs(seed: int = 0) -> dict:
    key = jax.random.key(seed)
    k1, k2, k3 = jax.random.split(key, 3)
    x1 = jax.random.normal(k1, (N1, D), dtype=jnp.float32)
    x2 = jax.random.normal(k2, (N2, D), dtype=jnp.float32)
    edge_index = jax.random.randint(k3, (2, E), 0, N1 + N2, dtype=jnp.int32)
    return {"x1": x1, "x2": x2, "edge_index": edge_index}

def reference(x1, x2, edge_index):
    # PostJointNet with method='mm' (EdgeDotProductMPN), dropout=0 (identity at eval).
    # Single-sample joint graph: prepare_features_for_joint_graph reduces to concat(x1, x2).
    x = jnp.concatenate([x1, x2], axis=0)
    src = edge_index[0]
    dst = edge_index[1]
    x_src = jnp.take(x, src, axis=0)
    x_dst = jnp.take(x, dst, axis=0)
    logits = jnp.sum(x_src * x_dst, axis=-1)
    return logits

if __name__ == "__main__":
    import jax
    _d = setup_inputs()
    print(jax.jit(kernel)(*tuple(_d.values())))

</pallas_src>

<mosaic_0001>
#map = affine_map<(d0, d1) -> (0, 0)>
#map1 = affine_map<(d0, d1) -> (0, 0, 0)>
module attributes {stable_mosaic.version = 14 : i64} {
  func.func @_sc_kernel_body(%arg0: i32, %arg1: i32, %arg2: memref<10000x128xf32, #tpu.memory_space<hbm>>, %arg3: memref<32x79x128xi32, #tpu.memory_space<hbm>>, %arg4: memref<32x79x128xi32, #tpu.memory_space<hbm>>, %arg5: memref<32x79x128xf32, #tpu.memory_space<hbm>>, %arg6: memref<79x128xi32, #tpu.memory_space<vmem>>, %arg7: memref<79x128xi32, #tpu.memory_space<vmem>>, %arg8: memref<128x128xf32, #tpu.memory_space<vmem>>, %arg9: memref<128x128xf32, #tpu.memory_space<vmem>>, %arg10: memref<79x128xf32, #tpu.memory_space<vmem>>, %arg11: memref<256xf32, #tpu.memory_space<vmem>>, %arg12: memref<!tpu.dma_semaphore, #tpu.memory_space<semaphore_mem>>, %arg13: memref<!tpu.dma_semaphore, #tpu.memory_space<semaphore_mem>>) attributes {dimension_semantics = [#tpu.dimension_semantics<core_parallel>, #tpu.dimension_semantics<subcore_parallel>], iteration_bounds = array<i64: 2, 16>, scalar_prefetch = 0 : i64, scratch_operands = 8 : i64, tpu.core_type = #tpu.core_type<sc_vector_subcore>, window_params = [{transform_indices = #map}, {transform_indices = #map1}, {transform_indices = #map1}, {transform_indices = #map1}]} {
    %mul3A = arith.constant 2 : i32
    %mul3A_0 = arith.muli %arg1, %mul3A : i32
    %add3A = arith.addi %mul3A_0, %arg0 : i32
    "tpu.region"() ({
      %run_scoped3A = tpu.sem_alloc : memref<!tpu.dma_semaphore, #tpu.memory_space<semaphore_mem>>
      %dma_start3A = arith.constant 0 : i32
      %dma_start3A_7 = arith.constant 0 : i32
      %dma_start3A_8 = tpu.memref_slice %arg3[%add3A, %dma_start3A, %dma_start3A_7] : memref<32x79x128xi32, #tpu.memory_space<hbm>> -> memref<1x79x128xi32, #tpu.memory_space<hbm>>
      %dma_start3A_9 = tpu.memref_squeeze %dma_start3A_8 : memref<1x79x128xi32, #tpu.memory_space<hbm>> -> memref<79x128xi32, #tpu.memory_space<hbm>>
      %dma_start3A_10 = arith.constant 0 : i32
      %dma_start3A_11 = arith.constant 0 : i32
      %dma_start3A_12 = tpu.memref_slice %arg3[%add3A, %dma_start3A_10, %dma_start3A_11] : memref<32x79x128xi32, #tpu.memory_space<hbm>> -> memref<1x79x128xi32, #tpu.memory_space<hbm>>
      %dma_start3A_13 = tpu.memref_squeeze %dma_start3A_12 : memref<1x79x128xi32, #tpu.memory_space<hbm>> -> memref<79x128xi32, #tpu.memory_space<hbm>>
      tpu.enqueue_dma source(%dma_start3A_13 : memref<79x128xi32, #tpu.memory_space<hbm>>) target(%arg6 : memref<79x128xi32, #tpu.memory_space<vmem>>) target_semaphore(%run_scoped3A : memref<!tpu.dma_semaphore, #tpu.memory_space<semaphore_mem>>)
      %dma_wait3A = arith.constant 0 : i32
      %dma_wait3A_14 = arith.constant 0 : i32
      %dma_wait3A_15 = tpu.memref_slice %arg3[%add3A, %dma_wait3A, %dma_wait3A_14] : memref<32x79x128xi32, #tpu.memory_space<hbm>> -> memref<1x79x128xi32, #tpu.memory_space<hbm>>
      %dma_wait3A_16 = tpu.memref_squeeze %dma_wait3A_15 : memref<1x79x128xi32, #tpu.memory_space<hbm>> -> memref<79x128xi32, #tpu.memory_space<hbm>>
      %dma_wait3A_17 = arith.constant 0 : i32
      %dma_wait3A_18 = arith.constant 0 : i32
      %dma_wait3A_19 = tpu.memref_slice %arg3[%add3A, %dma_wait3A_17, %dma_wait3A_18] : memref<32x79x128xi32, #tpu.memory_space<hbm>> -> memref<1x79x128xi32, #tpu.memory_space<hbm>>
      %dma_wait3A_20 = tpu.memref_squeeze %dma_wait3A_19 : memref<1x79x128xi32, #tpu.memory_space<hbm>> -> memref<79x128xi32, #tpu.memory_space<hbm>>
      tpu.wait_dma2 semaphore(%run_scoped3A : memref<!tpu.dma_semaphore, #tpu.memory_space<semaphore_mem>>) src(%dma_wait3A_20 : memref<79x128xi32, #tpu.memory_space<hbm>>) dst(%arg6 : memref<79x128xi32, #tpu.memory_space<vmem>>)
      tpu.yield
    }) : () -> ()
    "tpu.region"() ({
      %run_scoped3A = tpu.sem_alloc : memref<!tpu.dma_semaphore, #tpu.memory_space<semaphore_mem>>
      %dma_start3A = arith.constant 0 : i32
      %dma_start3A_7 = arith.constant 0 : i32
      %dma_start3A_8 = tpu.memref_slice %arg4[%add3A, %dma_start3A, %dma_start3A_7] : memref<32x79x128xi32, #tpu.memory_space<hbm>> -> memref<1x79x128xi32, #tpu.memory_space<hbm>>
      %dma_start3A_9 = tpu.memref_squeeze %dma_start3A_8 : memref<1x79x128xi32, #tpu.memory_space<hbm>> -> memref<79x128xi32, #tpu.memory_space<hbm>>
      %dma_start3A_10 = arith.constant 0 : i32
      %dma_start3A_11 = arith.constant 0 : i32
      %dma_start3A_12 = tpu.memref_slice %arg4[%add3A, %dma_start3A_10, %dma_start3A_11] : memref<32x79x128xi32, #tpu.memory_space<hbm>> -> memref<1x79x128xi32, #tpu.memory_space<hbm>>
      %dma_start3A_13 = tpu.memref_squeeze %dma_start3A_12 : memref<1x79x128xi32, #tpu.memory_space<hbm>> -> memref<79x128xi32, #tpu.memory_space<hbm>>
      tpu.enqueue_dma source(%dma_start3A_13 : memref<79x128xi32, #tpu.memory_space<hbm>>) target(%arg7 : memref<79x128xi32, #tpu.memory_space<vmem>>) target_semaphore(%run_scoped3A : memref<!tpu.dma_semaphore, #tpu.memory_space<semaphore_mem>>)
      %dma_wait3A = arith.constant 0 : i32
      %dma_wait3A_14 = arith.constant 0 : i32
      %dma_wait3A_15 = tpu.memref_slice %arg4[%add3A, %dma_wait3A, %dma_wait3A_14] : memref<32x79x128xi32, #tpu.memory_space<hbm>> -> memref<1x79x128xi32, #tpu.memory_space<hbm>>
      %dma_wait3A_16 = tpu.memref_squeeze %dma_wait3A_15 : memref<1x79x128xi32, #tpu.memory_space<hbm>> -> memref<79x128xi32, #tpu.memory_space<hbm>>
      %dma_wait3A_17 = arith.constant 0 : i32
      %dma_wait3A_18 = arith.constant 0 : i32
      %dma_wait3A_19 = tpu.memref_slice %arg4[%add3A, %dma_wait3A_17, %dma_wait3A_18] : memref<32x79x128xi32, #tpu.memory_space<hbm>> -> memref<1x79x128xi32, #tpu.memory_space<hbm>>
      %dma_wait3A_20 = tpu.memref_squeeze %dma_wait3A_19 : memref<1x79x128xi32, #tpu.memory_space<hbm>> -> memref<79x128xi32, #tpu.memory_space<hbm>>
      tpu.wait_dma2 semaphore(%run_scoped3A : memref<!tpu.dma_semaphore, #tpu.memory_space<semaphore_mem>>) src(%dma_wait3A_20 : memref<79x128xi32, #tpu.memory_space<hbm>>) dst(%arg7 : memref<79x128xi32, #tpu.memory_space<vmem>>)
      tpu.yield
    }) : () -> ()
    %scan3A = arith.constant 0 : i32
    %scan3A_1 = arith.constant 0 : i32
    %scan3A_2 = arith.constant 79 : i32
    %scan3A_3 = arith.addi %scan3A_1, %scan3A_2 : i32
    %scan3A_4 = arith.constant 1 : i32
    %scan3A_5 = scf.for %scan3A_7 = %scan3A_1 to %scan3A_3 step %scan3A_4 iter_args(%scan3A_8 = %scan3A) -> (i32)  : i32 {
      %dma_start3A = arith.constant 0 : i32
      %dma_start3A_9 = tpu.memref_slice %arg6[%scan3A_7, %dma_start3A] : memref<79x128xi32, #tpu.memory_space<vmem>> -> memref<1x128xi32, #tpu.memory_space<vmem>>
      %dma_start3A_10 = tpu.memref_squeeze %dma_start3A_9 : memref<1x128xi32, #tpu.memory_space<vmem>> -> memref<128xi32, #tpu.memory_space<vmem>>
      %dma_start3A_11 = arith.constant 0 : i32
      %dma_start3A_12 = arith.constant 0 : i32
      %dma_start3A_13 = tpu.memref_slice %arg2[%dma_start3A_11, %dma_start3A_12] : memref<10000x128xf32, #tpu.memory_space<hbm>> -> memref<10000x128xf32, #tpu.memory_space<hbm>>
      tpu.enqueue_indirect_dma source(%dma_start3A_13 : memref<10000x128xf32, #tpu.memory_space<hbm>>) target(%arg8 : memref<128x128xf32, #tpu.memory_space<vmem>>) offsets(%dma_start3A_10 : memref<128xi32, #tpu.memory_space<vmem>>) semaphore(%arg12 : memref<!tpu.dma_semaphore, #tpu.memory_space<semaphore_mem>>)
      %dma_start3A_14 = arith.constant 0 : i32
      %dma_start3A_15 = tpu.memref_slice %arg7[%scan3A_7, %dma_start3A_14] : memref<79x128xi32, #tpu.memory_space<vmem>> -> memref<1x128xi32, #tpu.memory_space<vmem>>
      %dma_start3A_16 = tpu.memref_squeeze %dma_start3A_15 : memref<1x128xi32, #tpu.memory_space<vmem>> -> memref<128xi32, #tpu.memory_space<vmem>>
      %dma_start3A_17 = arith.constant 0 : i32
      %dma_start3A_18 = arith.constant 0 : i32
      %dma_start3A_19 = tpu.memref_slice %arg2[%dma_start3A_17, %dma_start3A_18] : memref<10000x128xf32, #tpu.memory_space<hbm>> -> memref<10000x128xf32, #tpu.memory_space<hbm>>
      tpu.enqueue_indirect_dma source(%dma_start3A_19 : memref<10000x128xf32, #tpu.memory_space<hbm>>) target(%arg9 : memref<128x128xf32, #tpu.memory_space<vmem>>) offsets(%dma_start3A_16 : memref<128xi32, #tpu.memory_space<vmem>>) semaphore(%arg13 : memref<!tpu.dma_semaphore, #tpu.memory_space<semaphore_mem>>)
      %dma_wait3A = arith.constant 0 : i32
      %dma_wait3A_20 = tpu.memref_slice %arg6[%scan3A_7, %dma_wait3A] : memref<79x128xi32, #tpu.memory_space<vmem>> -> memref<1x128xi32, #tpu.memory_space<vmem>>
      %dma_wait3A_21 = tpu.memref_squeeze %dma_wait3A_20 : memref<1x128xi32, #tpu.memory_space<vmem>> -> memref<128xi32, #tpu.memory_space<vmem>>
      %dma_wait3A_22 = arith.constant 0 : i32
      %dma_wait3A_23 = arith.constant 0 : i32
      %dma_wait3A_24 = tpu.memref_slice %arg2[%dma_wait3A_22, %dma_wait3A_23] : memref<10000x128xf32, #tpu.memory_space<hbm>> -> memref<10000x128xf32, #tpu.memory_space<hbm>>
      tpu.wait_indirect_dma semaphore(%arg12 : memref<!tpu.dma_semaphore, #tpu.memory_space<semaphore_mem>>) src(%dma_wait3A_24 : memref<10000x128xf32, #tpu.memory_space<hbm>>) dst(%arg8 : memref<128x128xf32, #tpu.memory_space<vmem>>)
      %dma_wait3A_25 = arith.constant 0 : i32
      %dma_wait3A_26 = tpu.memref_slice %arg7[%scan3A_7, %dma_wait3A_25] : memref<79x128xi32, #tpu.memory_space<vmem>> -> memref<1x128xi32, #tpu.memory_space<vmem>>
      %dma_wait3A_27 = tpu.memref_squeeze %dma_wait3A_26 : memref<1x128xi32, #tpu.memory_space<vmem>> -> memref<128xi32, #tpu.memory_space<vmem>>
      %dma_wait3A_28 = arith.constant 0 : i32
      %dma_wait3A_29 = arith.constant 0 : i32
      %dma_wait3A_30 = tpu.memref_slice %arg2[%dma_wait3A_28, %dma_wait3A_29] : memref<10000x128xf32, #tpu.memory_space<hbm>> -> memref<10000x128xf32, #tpu.memory_space<hbm>>
      tpu.wait_indirect_dma semaphore(%arg13 : memref<!tpu.dma_semaphore, #tpu.memory_space<semaphore_mem>>) src(%dma_wait3A_30 : memref<10000x128xf32, #tpu.memory_space<hbm>>) dst(%arg9 : memref<128x128xf32, #tpu.memory_space<vmem>>)
      %iota3A = tpu.iota {dimensions = array<i32: 0>} : vector<16xi32>
      %mul3A_31 = arith.constant 16 : i32
      %mul3A_32 = vector.broadcast %mul3A_31 : i32 to vector<16xi32>
      %mul3A_33 = arith.muli %iota3A, %mul3A_32 : vector<16xi32>
      %scan3A_34 = arith.constant 0 : i32
      %scan3A_35 = arith.constant 0 : i32
      %scan3A_36 = arith.constant 8 : i32
      %scan3A_37 = arith.addi %scan3A_35, %scan3A_36 : i32
      %scan3A_38 = arith.constant 1 : i32
      %scan3A_39 = scf.for %scan3A_42 = %scan3A_35 to %scan3A_37 step %scan3A_38 iter_args(%scan3A_43 = %scan3A_34) -> (i32)  : i32 {
        %mul3A_44 = arith.constant 16 : i32
        %mul3A_45 = arith.muli %scan3A_42, %mul3A_44 : i32
        %add3A_46 = arith.constant 0 : i32
        %add3A_47 = arith.addi %mul3A_45, %add3A_46 : i32
        %broadcast_in_dim3A = arith.constant 0.000000e+00 : f32
        %broadcast_in_dim3A_48 = vector.broadcast %broadcast_in_dim3A : f32 to vector<16xf32>
        %get3A = arith.index_cast %add3A_47 : i32 to index
        %get3A_49 = arith.constant 0 : index
        %get3A_50 = tpu.vector_load %arg8[%get3A, %get3A_49] {strides = array<i32>} : memref<128x128xf32, #tpu.memory_space<vmem>>, vector<16xf32>,
        %get3A_51 = arith.index_cast %add3A_47 : i32 to index
        %get3A_52 = arith.constant 0 : index
        %get3A_53 = tpu.vector_load %arg9[%get3A_51, %get3A_52] {strides = array<i32>} : memref<128x128xf32, #tpu.memory_space<vmem>>, vector<16xf32>,
        %mul3A_54 = arith.mulf %get3A_50, %get3A_53 : vector<16xf32>
        %add3A_55 = arith.addf %broadcast_in_dim3A_48, %mul3A_54 : vector<16xf32>
        %get3A_56 = arith.index_cast %add3A_47 : i32 to index
        %get3A_57 = arith.constant 16 : index
        %get3A_58 = tpu.vector_load %arg8[%get3A_56, %get3A_57] {strides = array<i32>} : memref<128x128xf32, #tpu.memory_space<vmem>>, vector<16xf32>,
        %get3A_59 = arith.index_cast %add3A_47 : i32 to index
        %get3A_60 = arith.constant 16 : index
        %get3A_61 = tpu.vector_load %arg9[%get3A_59, %get3A_60] {strides = array<i32>} : memref<128x128xf32, #tpu.memory_space<vmem>>, vector<16xf32>,
        %mul3A_62 = arith.mulf %get3A_58, %get3A_61 : vector<16xf32>
        %add3A_63 = arith.addf %add3A_55, %mul3A_62 : vector<16xf32>
        %get3A_64 = arith.index_cast %add3A_47 : i32 to index
        %get3A_65 = arith.constant 32 : index
        %get3A_66 = tpu.vector_load %arg8[%get3A_64, %get3A_65] {strides = array<i32>} : memref<128x128xf32, #tpu.memory_space<vmem>>, vector<16xf32>,
        %get3A_67 = arith.index_cast %add3A_47 : i32 to index
        %get3A_68 = arith.constant 32 : index
        %get3A_69 = tpu.vector_load %arg9[%get3A_67, %get3A_68] {strides = array<i32>} : memref<128x128xf32, #tpu.memory_space<vmem>>, vector<16xf32>,
        %mul3A_70 = arith.mulf %get3A_66, %get3A_69 : vector<16xf32>
        %add3A_71 = arith.addf %add3A_63, %mul3A_70 : vector<16xf32>
        %get3A_72 = arith.index_cast %add3A_47 : i32 to index
        %get3A_73 = arith.constant 48 : index
        %get3A_74 = tpu.vector_load %arg8[%get3A_72, %get3A_73] {strides = array<i32>} : memref<128x128xf32, #tpu.memory_space<vmem>>, vector<16xf32>,
        %get3A_75 = arith.index_cast %add3A_47 : i32 to index
        %get3A_76 = arith.constant 48 : index
        %get3A_77 = tpu.vector_load %arg9[%get3A_75, %get3A_76] {strides = array<i32>} : memref<128x128xf32, #tpu.memory_space<vmem>>, vector<16xf32>,
        %mul3A_78 = arith.mulf %get3A_74, %get3A_77 : vector<16xf32>
        %add3A_79 = arith.addf %add3A_71, %mul3A_78 : vector<16xf32>
        %get3A_80 = arith.index_cast %add3A_47 : i32 to index
        %get3A_81 = arith.constant 64 : index
        %get3A_82 = tpu.vector_load %arg8[%get3A_80, %get3A_81] {strides = array<i32>} : memref<128x128xf32, #tpu.memory_space<vmem>>, vector<16xf32>,
        %get3A_83 = arith.index_cast %add3A_47 : i32 to index
        %get3A_84 = arith.constant 64 : index
        %get3A_85 = tpu.vector_load %arg9[%get3A_83, %get3A_84] {strides = array<i32>} : memref<128x128xf32, #tpu.memory_space<vmem>>, vector<16xf32>,
        %mul3A_86 = arith.mulf %get3A_82, %get3A_85 : vector<16xf32>
        %add3A_87 = arith.addf %add3A_79, %mul3A_86 : vector<16xf32>
        %get3A_88 = arith.index_cast %add3A_47 : i32 to index
        %get3A_89 = arith.constant 80 : index
        %get3A_90 = tpu.vector_load %arg8[%get3A_88, %get3A_89] {strides = array<i32>} : memref<128x128xf32, #tpu.memory_space<vmem>>, vector<16xf32>,
        %get3A_91 = arith.index_cast %add3A_47 : i32 to index
        %get3A_92 = arith.constant 80 : index
        %get3A_93 = tpu.vector_load %arg9[%get3A_91, %get3A_92] {strides = array<i32>} : memref<128x128xf32, #tpu.memory_space<vmem>>, vector<16xf32>,
        %mul3A_94 = arith.mulf %get3A_90, %get3A_93 : vector<16xf32>
        %add3A_95 = arith.addf %add3A_87, %mul3A_94 : vector<16xf32>
        %get3A_96 = arith.index_cast %add3A_47 : i32 to index
        %get3A_97 = arith.constant 96 : index
        %get3A_98 = tpu.vector_load %arg8[%get3A_96, %get3A_97] {strides = array<i32>} : memref<128x128xf32, #tpu.memory_space<vmem>>, vector<16xf32>,
        %get3A_99 = arith.index_cast %add3A_47 : i32 to index
        %get3A_100 = arith.constant 96 : index
        %get3A_101 = tpu.vector_load %arg9[%get3A_99, %get3A_100] {strides = array<i32>} : memref<128x128xf32, #tpu.memory_space<vmem>>, vector<16xf32>,
        %mul3A_102 = arith.mulf %get3A_98, %get3A_101 : vector<16xf32>
        %add3A_103 = arith.addf %add3A_95, %mul3A_102 : vector<16xf32>
        %get3A_104 = arith.index_cast %add3A_47 : i32 to index
        %get3A_105 = arith.constant 112 : index
        %get3A_106 = tpu.vector_load %arg8[%get3A_104, %get3A_105] {strides = array<i32>} : memref<128x128xf32, #tpu.memory_space<vmem>>, vector<16xf32>,
        %get3A_107 = arith.index_cast %add3A_47 : i32 to index
        %get3A_108 = arith.constant 112 : index
        %get3A_109 = tpu.vector_load %arg9[%get3A_107, %get3A_108] {strides = array<i32>} : memref<128x128xf32, #tpu.memory_space<vmem>>, vector<16xf32>,
        %mul3A_110 = arith.mulf %get3A_106, %get3A_109 : vector<16xf32>
        %add3A_111 = arith.addf %add3A_103, %mul3A_110 : vector<16xf32>
        %swap3A = arith.constant 0 : index
        %swap3A_112 = tpu.vector_load %arg11[%swap3A] {strides = array<i32>} : memref<256xf32, #tpu.memory_space<vmem>>, vector<16xf32>,
        tpu.vector_store %arg11[%swap3A], %add3A_111 {strides = array<i32>} : memref<256xf32, #tpu.memory_space<vmem>>, vector<16xf32>,
        %mul3A_113 = arith.constant 16 : i32
        %mul3A_114 = arith.muli %scan3A_42, %mul3A_113 : i32
        %add3A_115 = arith.constant 1 : i32
        %add3A_116 = arith.addi %mul3A_114, %add3A_115 : i32
        %broadcast_in_dim3A_117 = arith.constant 0.000000e+00 : f32
        %broadcast_in_dim3A_118 = vector.broadcast %broadcast_in_dim3A_117 : f32 to vector<16xf32>
        %get3A_119 = arith.index_cast %add3A_116 : i32 to index
        %get3A_120 = arith.constant 0 : index
        %get3A_121 = tpu.vector_load %arg8[%get3A_119, %get3A_120] {strides = array<i32>} : memref<128x128xf32, #tpu.memory_space<vmem>>, vector<16xf32>,
        %get3A_122 = arith.index_cast %add3A_116 : i32 to index
        %get3A_123 = arith.constant 0 : index
        %get3A_124 = tpu.vector_load %arg9[%get3A_122, %get3A_123] {strides = array<i32>} : memref<128x128xf32, #tpu.memory_space<vmem>>, vector<16xf32>,
        %mul3A_125 = arith.mulf %get3A_121, %get3A_124 : vector<16xf32>
        %add3A_126 = arith.addf %broadcast_in_dim3A_118, %mul3A_125 : vector<16xf32>
        %get3A_127 = arith.index_cast %add3A_116 : i32 to index
        %get3A_128 = arith.constant 16 : index
        %get3A_129 = tpu.vector_load %arg8[%get3A_127, %get3A_128] {strides = array<i32>} : memref<128x128xf32, #tpu.memory_space<vmem>>, vector<16xf32>,
        %get3A_130 = arith.index_cast %add3A_116 : i32 to index
        %get3A_131 = arith.constant 16 : index
        %get3A_132 = tpu.vector_load %arg9[%get3A_130, %get3A_131] {strides = array<i32>} : memref<128x128xf32, #tpu.memory_space<vmem>>, vector<16xf32>,
        %mul3A_133 = arith.mulf %get3A_129, %get3A_132 : vector<16xf32>
        %add3A_134 = arith.addf %add3A_126, %mul3A_133 : vector<16xf32>
        %get3A_135 = arith.index_cast %add3A_116 : i32 to index
        %get3A_136 = arith.constant 32 : index
        %get3A_137 = tpu.vector_load %arg8[%get3A_135, %get3A_136] {strides = array<i32>} : memref<128x128xf32, #tpu.memory_space<vmem>>, vector<16xf32>,
        %get3A_138 = arith.index_cast %add3A_116 : i32 to index
        %get3A_139 = arith.constant 32 : index
        %get3A_140 = tpu.vector_load %arg9[%get3A_138, %get3A_139] {strides = array<i32>} : memref<128x128xf32, #tpu.memory_space<vmem>>, vector<16xf32>,
        %mul3A_141 = arith.mulf %get3A_137, %get3A_140 : vector<16xf32>
        %add3A_142 = arith.addf %add3A_134, %mul3A_141 : vector<16xf32>
        %get3A_143 = arith.index_cast %add3A_116 : i32 to index
        %get3A_144 = arith.constant 48 : index
        %get3A_145 = tpu.vector_load %arg8[%get3A_143, %get3A_144] {strides = array<i32>} : memref<128x128xf32, #tpu.memory_space<vmem>>, vector<16xf32>,
        %get3A_146 = arith.index_cast %add3A_116 : i32 to index
        %get3A_147 = arith.constant 48 : index
        %get3A_148 = tpu.vector_load %arg9[%get3A_146, %get3A_147] {strides = array<i32>} : memref<128x128xf32, #tpu.memory_space<vmem>>, vector<16xf32>,
        %mul3A_149 = arith.mulf %get3A_145, %get3A_148 : vector<16xf32>
        %add3A_150 = arith.addf %add3A_142, %mul3A_149 : vector<16xf32>
        %get3A_151 = arith.index_cast %add3A_116 : i32 to index
        %get3A_152 = arith.constant 64 : index
        %get3A_153 = tpu.vector_load %arg8[%get3A_151, %get3A_152] {strides = array<i32>} : memref<128x128xf32, #tpu.memory_space<vmem>>, vector<16xf32>,
        %get3A_154 = arith.index_cast %add3A_116 : i32 to index
        %get3A_155 = arith.constant 64 : index
        %get3A_156 = tpu.vector_load %arg9[%get3A_154, %get3A_155] {strides = array<i32>} : memref<128x128xf32, #tpu.memory_space<vmem>>, vector<16xf32>,
        %mul3A_157 = arith.mulf %get3A_153, %get3A_156 : vector<16xf32>
        %add3A_158 = arith.addf %add3A_150, %mul3A_157 : vector<16xf32>
        %get3A_159 = arith.index_cast %add3A_116 : i32 to index
        %get3A_160 = arith.constant 80 : index
        %get3A_161 = tpu.vector_load %arg8[%get3A_159, %get3A_160] {strides = array<i32>} : memref<128x128xf32, #tpu.memory_space<vmem>>, vector<16xf32>,
        %get3A_162 = arith.index_cast %add3A_116 : i32 to index
        %get3A_163 = arith.constant 80 : index
        %get3A_164 = tpu.vector_load %arg9[%get3A_162, %get3A_163] {strides = array<i32>} : memref<128x128xf32, #tpu.memory_space<vmem>>, vector<16xf32>,
        %mul3A_165 = arith.mulf %get3A_161, %get3A_164 : vector<16xf32>
        %add3A_166 = arith.addf %add3A_158, %mul3A_165 : vector<16xf32>
        %get3A_167 = arith.index_cast %add3A_116 : i32 to index
        %get3A_168 = arith.constant 96 : index
        %get3A_169 = tpu.vector_load %arg8[%get3A_167, %get3A_168] {strides = array<i32>} : memref<128x128xf32, #tpu.memory_space<vmem>>, vector<16xf32>,
        %get3A_170 = arith.index_cast %add3A_116 : i32 to index
        %get3A_171 = arith.constant 96 : index
        %get3A_172 = tpu.vector_load %arg9[%get3A_170, %get3A_171] {strides = array<i32>} : memref<128x128xf32, #tpu.memory_space<vmem>>, vector<16xf32>,
        %mul3A_173 = arith.mulf %get3A_169, %get3A_172 : vector<16xf32>
        %add3A_174 = arith.addf %add3A_166, %mul3A_173 : vector<16xf32>
        %get3A_175 = arith.index_cast %add3A_116 : i32 to index
        %get3A_176 = arith.constant 112 : index
        %get3A_177 = tpu.vector_load %arg8[%get3A_175, %get3A_176] {strides = array<i32>} : memref<128x128xf32, #tpu.memory_space<vmem>>, vector<16xf32>,
        %get3A_178 = arith.index_cast %add3A_116 : i32 to index
        %get3A_179 = arith.constant 112 : index
        %get3A_180 = tpu.vector_load %arg9[%get3A_178, %get3A_179] {strides = array<i32>} : memref<128x128xf32, #tpu.memory_space<vmem>>, vector<16xf32>,
        %mul3A_181 = arith.mulf %get3A_177, %get3A_180 : vector<16xf32>
        %add3A_182 = arith.addf %add3A_174, %mul3A_181 : vector<16xf32>
        %swap3A_183 = arith.constant 16 : index
        %swap3A_184 = tpu.vector_load %arg11[%swap3A_183] {strides = array<i32>} : memref<256xf32, #tpu.memory_space<vmem>>, vector<16xf32>,
        tpu.vector_store %arg11[%swap3A_183], %add3A_182 {strides = array<i32>} : memref<256xf32, #tpu.memory_space<vmem>>, vector<16xf32>,
        %mul3A_185 = arith.constant 16 : i32
        %mul3A_186 = arith.muli %scan3A_42, %mul3A_185 : i32
        %add3A_187 = arith.constant 2 : i32
        %add3A_188 = arith.addi %mul3A_186, %add3A_187 : i32
        %broadcast_in_dim3A_189 = arith.constant 0.000000e+00 : f32
        %broadcast_in_dim3A_190 = vector.broadcast %broadcast_in_dim3A_189 : f32 to vector<16xf32>
        %get3A_191 = arith.index_cast %add3A_188 : i32 to index
        %get3A_192 = arith.constant 0 : index
        %get3A_193 = tpu.vector_load %arg8[%get3A_191, %get3A_192] {strides = array<i32>} : memref<128x128xf32, #tpu.memory_space<vmem>>, vector<16xf32>,
        %get3A_194 = arith.index_cast %add3A_188 : i32 to index
        %get3A_195 = arith.constant 0 : index
        %get3A_196 = tpu.vector_load %arg9[%get3A_194, %get3A_195] {strides = array<i32>} : memref<128x128xf32, #tpu.memory_space<vmem>>, vector<16xf32>,
        %mul3A_197 = arith.mulf %get3A_193, %get3A_196 : vector<16xf32>
        %add3A_198 = arith.addf %broadcast_in_dim3A_190, %mul3A_197 : vector<16xf32>
        %get3A_199 = arith.index_cast %add3A_188 : i32 to index
        %get3A_200 = arith.constant 16 : index
        %get3A_201 = tpu.vector_load %arg8[%get3A_199, %get3A_200] {strides = array<i32>} : memref<128x128xf32, #tpu.memory_space<vmem>>, vector<16xf32>,
        %get3A_202 = arith.index_cast %add3A_188 : i32 to index
        %get3A_203 = arith.constant 16 : index
        %get3A_204 = tpu.vector_load %arg9[%get3A_202, %get3A_203] {strides = array<i32>} : memref<128x128xf32, #tpu.memory_space<vmem>>, vector<16xf32>,
        %mul3A_205 = arith.mulf %get3A_201, %get3A_204 : vector<16xf32>
        %add3A_206 = arith.addf %add3A_198, %mul3A_205 : vector<16xf32>
        %get3A_207 = arith.index_cast %add3A_188 : i32 to index
        %get3A_208 = arith.constant 32 : index
        %get3A_209 = tpu.vector_load %arg8[%get3A_207, %get3A_208] {strides = array<i32>} : memref<128x128xf32, #tpu.memory_space<vmem>>, vector<16xf32>,
        %get3A_210 = arith.index_cast %add3A_188 : i32 to index
        %get3A_211 = arith.constant 32 : index
        %get3A_212 = tpu.vector_load %arg9[%get3A_210, %get3A_211] {strides = array<i32>} : memref<128x128xf32, #tpu.memory_space<vmem>>, vector<16xf32>,
        %mul3A_213 = arith.mulf %get3A_209, %get3A_212 : vector<16xf32>
        %add3A_214 = arith.addf %add3A_206, %mul3A_213 : vector<16xf32>
        %get3A_215 = arith.index_cast %add3A_188 : i32 to index
        %get3A_216 = arith.constant 48 : index
        %get3A_217 = tpu.vector_load %arg8[%get3A_215, %get3A_216] {strides = array<i32>} : memref<128x128xf32, #tpu.memory_space<vmem>>, vector<16xf32>,
        %get3A_218 = arith.index_cast %add3A_188 : i32 to index
        %get3A_219 = arith.constant 48 : index
        %get3A_220 = tpu.vector_load %arg9[%get3A_218, %get3A_219] {strides = array<i32>} : memref<128x128xf32, #tpu.memory_space<vmem>>, vector<16xf32>,
        %mul3A_221 = arith.mulf %get3A_217, %get3A_220 : vector<16xf32>
        %add3A_222 = arith.addf %add3A_214, %mul3A_221 : vector<16xf32>
        %get3A_223 = arith.index_cast %add3A_188 : i32 to index
        %get3A_224 = arith.constant 64 : index
        %get3A_225 = tpu.vector_load %arg8[%get3A_223, %get3A_224] {strides = array<i32>} : memref<128x128xf32, #tpu.memory_space<vmem>>, vector<16xf32>,
        %get3A_226 = arith.index_cast %add3A_188 : i32 to index
        %get3A_227 = arith.constant 64 : index
        %get3A_228 = tpu.vector_load %arg9[%get3A_226, %get3A_227] {strides = array<i32>} : memref<128x128xf32, #tpu.memory_space<vmem>>, vector<16xf32>,
        %mul3A_229 = arith.mulf %get3A_225, %get3A_228 : vector<16xf32>
        %add3A_230 = arith.addf %add3A_222, %mul3A_229 : vector<16xf32>
        %get3A_231 = arith.index_cast %add3A_188 : i32 to index
        %get3A_232 = arith.constant 80 : index
        %get3A_233 = tpu.vector_load %arg8[%get3A_231, %get3A_232] {strides = array<i32>} : memref<128x128xf32, #tpu.memory_space<vmem>>, vector<16xf32>,
        %get3A_234 = arith.index_cast %add3A_188 : i32 to index
        %get3A_235 = arith.constant 80 : index
        %get3A_236 = tpu.vector_load %arg9[%get3A_234, %get3A_235] {strides = array<i32>} : memref<128x128xf32, #tpu.memory_space<vmem>>, vector<16xf32>,
        %mul3A_237 = arith.mulf %get3A_233, %get3A_236 : vector<16xf32>
        %add3A_238 = arith.addf %add3A_230, %mul3A_237 : vector<16xf32>
        %get3A_239 = arith.index_cast %add3A_188 : i32 to index
        %get3A_240 = arith.constant 96 : index
        %get3A_241 = tpu.vector_load %arg8[%get3A_239, %get3A_240] {strides = array<i32>} : memref<128x128xf32, #tpu.memory_space<vmem>>, vector<16xf32>,
        %get3A_242 = arith.index_cast %add3A_188 : i32 to index
        %get3A_243 = arith.constant 96 : index
        %get3A_244 = tpu.vector_load %arg9[%get3A_242, %get3A_243] {strides = array<i32>} : memref<128x128xf32, #tpu.memory_space<vmem>>, vector<16xf32>,
        %mul3A_245 = arith.mulf %get3A_241, %get3A_244 : vector<16xf32>
        %add3A_246 = arith.addf %add3A_238, %mul3A_245 : vector<16xf32>
        %get3A_247 = arith.index_cast %add3A_188 : i32 to index
        %get3A_248 = arith.constant 112 : index
        %get3A_249 = tpu.vector_load %arg8[%get3A_247, %get3A_248] {strides = array<i32>} : memref<128x128xf32, #tpu.memory_space<vmem>>, vector<16xf32>,
        %get3A_250 = arith.index_cast %add3A_188 : i32 to index
        %get3A_251 = arith.constant 112 : index
        %get3A_252 = tpu.vector_load %arg9[%get3A_250, %get3A_251] {strides = array<i32>} : memref<128x128xf32, #tpu.memory_space<vmem>>, vector<16xf32>,
        %mul3A_253 = arith.mulf %get3A_249, %get3A_252 : vector<16xf32>
        %add3A_254 = arith.addf %add3A_246, %mul3A_253 : vector<16xf32>
        %swap3A_255 = arith.constant 32 : index
        %swap3A_256 = tpu.vector_load %arg11[%swap3A_255] {strides = array<i32>} : memref<256xf32, #tpu.memory_space<vmem>>, vector<16xf32>,
        tpu.vector_store %arg11[%swap3A_255], %add3A_254 {strides = array<i32>} : memref<256xf32, #tpu.memory_space<vmem>>, vector<16xf32>,
        %mul3A_257 = arith.constant 16 : i32
        %mul3A_258 = arith.muli %scan3A_42, %mul3A_257 : i32
        %add3A_259 = arith.constant 3 : i32
        %add3A_260 = arith.addi %mul3A_258, %add3A_259 : i32
        %broadcast_in_dim3A_261 = arith.constant 0.000000e+00 : f32
        %broadcast_in_dim3A_262 = vector.broadcast %broadcast_in_dim3A_261 : f32 to vector<16xf32>
        %get3A_263 = arith.index_cast %add3A_260 : i32 to index
        %get3A_264 = arith.constant 0 : index
        %get3A_265 = tpu.vector_load %arg8[%get3A_263, %get3A_264] {strides = array<i32>} : memref<128x128xf32, #tpu.memory_space<vmem>>, vector<16xf32>,
        %get3A_266 = arith.index_cast %add3A_260 : i32 to index
        %get3A_267 = arith.constant 0 : index
        %get3A_268 = tpu.vector_load %arg9[%get3A_266, %get3A_267] {strides = array<i32>} : memref<128x128xf32, #tpu.memory_space<vmem>>, vector<16xf32>,
        %mul3A_269 = arith.mulf %get3A_265, %get3A_268 : vector<16xf32>
        %add3A_270 = arith.addf %broadcast_in_dim3A_262, %mul3A_269 : vector<16xf32>
        %get3A_271 = arith.index_cast %add3A_260 : i32 to index
        %get3A_272 = arith.constant 16 : index
        %get3A_273 = tpu.vector_load %arg8[%get3A_271, %get3A_272] {strides = array<i32>} : memref<128x128xf32, #tpu.memory_space<vmem>>, vector<16xf32>,
        %get3A_274 = arith.index_cast %add3A_260 : i32 to index
        %get3A_275 = arith.constant 16 : index
        %get3A_276 = tpu.vector_load %arg9[%get3A_274, %get3A_275] {strides = array<i32>} : memref<128x128xf32, #tpu.memory_space<vmem>>, vector<16xf32>,
        %mul3A_277 = arith.mulf %get3A_273, %get3A_276 : vector<16xf32>
        %add3A_278 = arith.addf %add3A_270, %mul3A_277 : vector<16xf32>
        %get3A_279 = arith.index_cast %add3A_260 : i32 to index
        %get3A_280 = arith.constant 32 : index
        %get3A_281 = tpu.vector_load %arg8[%get3A_279, %get3A_280] {strides = array<i32>} : memref<128x128xf32, #tpu.memory_space<vmem>>, vector<16xf32>,
        %get3A_282 = arith.index_cast %add3A_260 : i32 to index
        %get3A_283 = arith.constant 32 : index
        %get3A_284 = tpu.vector_load %arg9[%get3A_282, %get3A_283] {strides = array<i32>} : memref<128x128xf32, #tpu.memory_space<vmem>>, vector<16xf32>,
        %mul3A_285 = arith.mulf %get3A_281, %get3A_284 : vector<16xf32>
        %add3A_286 = arith.addf %add3A_278, %mul3A_285 : vector<16xf32>
        %get3A_287 = arith.index_cast %add3A_260 : i32 to index
        %get3A_288 = arith.constant 48 : index
        %get3A_289 = tpu.vector_load %arg8[%get3A_287, %get3A_288] {strides = array<i32>} : memref<128x128xf32, #tpu.memory_space<vmem>>, vector<16xf32>,
        %get3A_290 = arith.index_cast %add3A_260 : i32 to index
        %get3A_291 = arith.constant 48 : index
        %get3A_292 = tpu.vector_load %arg9[%get3A_290, %get3A_291] {strides = array<i32>} : memref<128x128xf32, #tpu.memory_space<vmem>>, vector<16xf32>,
        %mul3A_293 = arith.mulf %get3A_289, %get3A_292 : vector<16xf32>
        %add3A_294 = arith.addf %add3A_286, %mul3A_293 : vector<16xf32>
        %get3A_295 = arith.index_cast %add3A_260 : i32 to index
        %get3A_296 = arith.constant 64 : index
        %get3A_297 = tpu.vector_load %arg8[%get3A_295, %get3A_296] {strides = array<i32>} : memref<128x128xf32, #tpu.memory_space<vmem>>, vector<16xf32>,
        %get3A_298 = arith.index_cast %add3A_260 : i32 to index
        %get3A_299 = arith.constant 64 : index
        %get3A_300 = tpu.vector_load %arg9[%get3A_298, %get3A_299] {strides = array<i32>} : memref<128x128xf32, #tpu.memory_space<vmem>>, vector<16xf32>,
        %mul3A_301 = arith.mulf %get3A_297, %get3A_300 : vector<16xf32>
        %add3A_302 = arith.addf %add3A_294, %mul3A_301 : vector<16xf32>
        %get3A_303 = arith.index_cast %add3A_260 : i32 to index
        %get3A_304 = arith.constant 80 : index
        %get3A_305 = tpu.vector_load %arg8[%get3A_303, %get3A_304] {strides = array<i32>} : memref<128x128xf32, #tpu.memory_space<vmem>>, vector<16xf32>,
        %get3A_306 = arith.index_cast %add3A_260 : i32 to index
        %get3A_307 = arith.constant 80 : index
        %get3A_308 = tpu.vector_load %arg9[%get3A_306, %get3A_307] {strides = array<i32>} : memref<128x128xf32, #tpu.memory_space<vmem>>, vector<16xf32>,
        %mul3A_309 = arith.mulf %get3A_305, %get3A_308 : vector<16xf32>
        %add3A_310 = arith.addf %add3A_302, %mul3A_309 : vector<16xf32>
        %get3A_311 = arith.index_cast %add3A_260 : i32 to index
        %get3A_312 = arith.constant 96 : index
        %get3A_313 = tpu.vector_load %arg8[%get3A_311, %get3A_312] {strides = array<i32>} : memref<128x128xf32, #tpu.memory_space<vmem>>, vector<16xf32>,
        %get3A_314 = arith.index_cast %add3A_260 : i32 to index
        %get3A_315 = arith.constant 96 : index
        %get3A_316 = tpu.vector_load %arg9[%get3A_314, %get3A_315] {strides = array<i32>} : memref<128x128xf32, #tpu.memory_space<vmem>>, vector<16xf32>,
        %mul3A_317 = arith.mulf %get3A_313, %get3A_316 : vector<16xf32>
        %add3A_318 = arith.addf %add3A_310, %mul3A_317 : vector<16xf32>
        %get3A_319 = arith.index_cast %add3A_260 : i32 to index
        %get3A_320 = arith.constant 112 : index
        %get3A_321 = tpu.vector_load %arg8[%get3A_319, %get3A_320] {strides = array<i32>} : memref<128x128xf32, #tpu.memory_space<vmem>>, vector<16xf32>,
        %get3A_322 = arith.index_cast %add3A_260 : i32 to index
        %get3A_323 = arith.constant 112 : index
        %get3A_324 = tpu.vector_load %arg9[%get3A_322, %get3A_323] {strides = array<i32>} : memref<128x128xf32, #tpu.memory_space<vmem>>, vector<16xf32>,
        %mul3A_325 = arith.mulf %get3A_321, %get3A_324 : vector<16xf32>
        %add3A_326 = arith.addf %add3A_318, %mul3A_325 : vector<16xf32>
        %swap3A_327 = arith.constant 48 : index
        %swap3A_328 = tpu.vector_load %arg11[%swap3A_327] {strides = array<i32>} : memref<256xf32, #tpu.memory_space<vmem>>, vector<16xf32>,
        tpu.vector_store %arg11[%swap3A_327], %add3A_326 {strides = array<i32>} : memref<256xf32, #tpu.memory_space<vmem>>, vector<16xf32>,
        %mul3A_329 = arith.constant 16 : i32
        %mul3A_330 = arith.muli %scan3A_42, %mul3A_329 : i32
        %add3A_331 = arith.constant 4 : i32
        %add3A_332 = arith.addi %mul3A_330, %add3A_331 : i32
        %broadcast_in_dim3A_333 = arith.constant 0.000000e+00 : f32
        %broadcast_in_dim3A_334 = vector.broadcast %broadcast_in_dim3A_333 : f32 to vector<16xf32>
        %get3A_335 = arith.index_cast %add3A_332 : i32 to index
        %get3A_336 = arith.constant 0 : index
        %get3A_337 = tpu.vector_load %arg8[%get3A_335, %get3A_336] {strides = array<i32>} : memref<128x128xf32, #tpu.memory_space<vmem>>, vector<16xf32>,
        %get3A_338 = arith.index_cast %add3A_332 : i32 to index
        %get3A_339 = arith.constant 0 : index
        %get3A_340 = tpu.vector_load %arg9[%get3A_338, %get3A_339] {strides = array<i32>} : memref<128x128xf32, #tpu.memory_space<vmem>>, vector<16xf32>,
        %mul3A_341 = arith.mulf %get3A_337, %get3A_340 : vector<16xf32>
        %add3A_342 = arith.addf %broadcast_in_dim3A_334, %mul3A_341 : vector<16xf32>
        %get3A_343 = arith.index_cast %add3A_332 : i32 to index
        %get3A_344 = arith.constant 16 : index
        %get3A_345 = tpu.vector_load %arg8[%get3A_343, %get3A_344] {strides = array<i32>} : memref<128x128xf32, #tpu.memory_space<vmem>>, vector<16xf32>,
        %get3A_346 = arith.index_cast %add3A_332 : i32 to index
        %get3A_347 = arith.constant 16 : index
        %get3A_348 = tpu.vector_load %arg9[%get3A_346, %get3A_347] {strides = array<i32>} : memref<128x128xf32, #tpu.memory_space<vmem>>, vector<16xf32>,
        %mul3A_349 = arith.mulf %get3A_345, %get3A_348 : vector<16xf32>
        %add3A_350 = arith.addf %add3A_342, %mul3A_349 : vector<16xf32>
        %get3A_351 = arith.index_cast %add3A_332 : i32 to index
        %get3A_352 = arith.constant 32 : index
        %get3A_353 = tpu.vector_load %arg8[%get3A_351, %get3A_352] {strides = array<i32>} : memref<128x128xf32, #tpu.memory_space<vmem>>, vector<16xf32>,
        %get3A_354 = arith.index_cast %add3A_332 : i32 to index
        %get3A_355 = arith.constant 32 : index
        %get3A_356 = tpu.vector_load %arg9[%get3A_354, %get3A_355] {strides = array<i32>} : memref<128x128xf32, #tpu.memory_space<vmem>>, vector<16xf32>,
        %mul3A_357 = arith.mulf %get3A_353, %get3A_356 : vector<16xf32>
        %add3A_358 = arith.addf %add3A_350, %mul3A_357 : vector<16xf32>
        %get3A_359 = arith.index_cast %add3A_332 : i32 to index
        %get3A_360 = arith.constant 48 : index
        %get3A_361 = tpu.vector_load %arg8[%get3A_359, %get3A_360] {strides = array<i32>} : memref<128x128xf32, #tpu.memory_space<vmem>>, vector<16xf32>,
        %get3A_362 = arith.index_cast %add3A_332 : i32 to index
        %get3A_363 = arith.constant 48 : index
        %get3A_364 = tpu.vector_load %arg9[%get3A_362, %get3A_363] {strides = array<i32>} : memref<128x128xf32, #tpu.memory_space<vmem>>, vector<16xf32>,
        %mul3A_365 = arith.mulf %get3A_361, %get3A_364 : vector<16xf32>
        %add3A_366 = arith.addf %add3A_358, %mul3A_365 : vector<16xf32>
        %get3A_367 = arith.index_cast %add3A_332 : i32 to index
        %get3A_368 = arith.constant 64 : index
        %get3A_369 = tpu.vector_load %arg8[%get3A_367, %get3A_368] {strides = array<i32>} : memref<128x128xf32, #tpu.memory_space<vmem>>, vector<16xf32>,
        %get3A_370 = arith.index_cast %add3A_332 : i32 to index
        %get3A_371 = arith.constant 64 : index
        %get3A_372 = tpu.vector_load %arg9[%get3A_370, %get3A_371] {strides = array<i32>} : memref<128x128xf32, #tpu.memory_space<vmem>>, vector<16xf32>,
        %mul3A_373 = arith.mulf %get3A_369, %get3A_372 : vector<16xf32>
        %add3A_374 = arith.addf %add3A_366, %mul3A_373 : vector<16xf32>
        %get3A_375 = arith.index_cast %add3A_332 : i32 to index
        %get3A_376 = arith.constant 80 : index
        %get3A_377 = tpu.vector_load %arg8[%get3A_375, %get3A_376] {strides = array<i32>} : memref<128x128xf32, #tpu.memory_space<vmem>>, vector<16xf32>,
        %get3A_378 = arith.index_cast %add3A_332 : i32 to index
        %get3A_379 = arith.constant 80 : index
        %get3A_380 = tpu.vector_load %arg9[%get3A_378, %get3A_379] {strides = array<i32>} : memref<128x128xf32, #tpu.memory_space<vmem>>, vector<16xf32>,
        %mul3A_381 = arith.mulf %get3A_377, %get3A_380 : vector<16xf32>
        %add3A_382 = arith.addf %add3A_374, %mul3A_381 : vector<16xf32>
        %get3A_383 = arith.index_cast %add3A_332 : i32 to index
        %get3A_384 = arith.constant 96 : index
        %get3A_385 = tpu.vector_load %arg8[%get3A_383, %get3A_384] {strides = array<i32>} : memref<128x128xf32, #tpu.memory_space<vmem>>, vector<16xf32>,
        %get3A_386 = arith.index_cast %add3A_332 : i32 to index
        %get3A_387 = arith.constant 96 : index
        %get3A_388 = tpu.vector_load %arg9[%get3A_386, %get3A_387] {strides = array<i32>} : memref<128x128xf32, #tpu.memory_space<vmem>>, vector<16xf32>,
        %mul3A_389 = arith.mulf %get3A_385, %get3A_388 : vector<16xf32>
        %add3A_390 = arith.addf %add3A_382, %mul3A_389 : vector<16xf32>
        %get3A_391 = arith.index_cast %add3A_332 : i32 to index
        %get3A_392 = arith.constant 112 : index
        %get3A_393 = tpu.vector_load %arg8[%get3A_391, %get3A_392] {strides = array<i32>} : memref<128x128xf32, #tpu.memory_space<vmem>>, vector<16xf32>,
        %get3A_394 = arith.index_cast %add3A_332 : i32 to index
        %get3A_395 = arith.constant 112 : index
        %get3A_396 = tpu.vector_load %arg9[%get3A_394, %get3A_395] {strides = array<i32>} : memref<128x128xf32, #tpu.memory_space<vmem>>, vector<16xf32>,
        %mul3A_397 = arith.mulf %get3A_393, %get3A_396 : vector<16xf32>
        %add3A_398 = arith.addf %add3A_390, %mul3A_397 : vector<16xf32>
        %swap3A_399 = arith.constant 64 : index
        %swap3A_400 = tpu.vector_load %arg11[%swap3A_399] {strides = array<i32>} : memref<256xf32, #tpu.memory_space<vmem>>, vector<16xf32>,
        tpu.vector_store %arg11[%swap3A_399], %add3A_398 {strides = array<i32>} : memref<256xf32, #tpu.memory_space<vmem>>, vector<16xf32>,
        %mul3A_401 = arith.constant 16 : i32
        %mul3A_402 = arith.muli %scan3A_42, %mul3A_401 : i32
        %add3A_403 = arith.constant 5 : i32
        %add3A_404 = arith.addi %mul3A_402, %add3A_403 : i32
        %broadcast_in_dim3A_405 = arith.constant 0.000000e+00 : f32
        %broadcast_in_dim3A_406 = vector.broadcast %broadcast_in_dim3A_405 : f32 to vector<16xf32>
        %get3A_407 = arith.index_cast %add3A_404 : i32 to index
        %get3A_408 = arith.constant 0 : index
        %get3A_409 = tpu.vector_load %arg8[%get3A_407, %get3A_408] {strides = array<i32>} : memref<128x128xf32, #tpu.memory_space<vmem>>, vector<16xf32>,
        %get3A_410 = arith.index_cast %add3A_404 : i32 to index
        %get3A_411 = arith.constant 0 : index
        %get3A_412 = tpu.vector_load %arg9[%get3A_410, %get3A_411] {strides = array<i32>} : memref<128x128xf32, #tpu.memory_space<vmem>>, vector<16xf32>,
        %mul3A_413 = arith.mulf %get3A_409, %get3A_412 : vector<16xf32>
        %add3A_414 = arith.addf %broadcast_in_dim3A_406, %mul3A_413 : vector<16xf32>
        %get3A_415 = arith.index_cast %add3A_404 : i32 to index
        %get3A_416 = arith.constant 16 : index
        %get3A_417 = tpu.vector_load %arg8[%get3A_415, %get3A_416] {strides = array<i32>} : memref<128x128xf32, #tpu.memory_space<vmem>>, vector<16xf32>,
        %get3A_418 = arith.index_cast %add3A_404 : i32 to index
        %get3A_419 = arith.constant 16 : index
        %get3A_420 = tpu.vector_load %arg9[%get3A_418, %get3A_419] {strides = array<i32>} : memref<128x128xf32, #tpu.memory_space<vmem>>, vector<16xf32>,
        %mul3A_421 = arith.mulf %get3A_417, %get3A_420 : vector<16xf32>
        %add3A_422 = arith.addf %add3A_414, %mul3A_421 : vector<16xf32>
        %get3A_423 = arith.index_cast %add3A_404 : i32 to index
        %get3A_424 = arith.constant 32 : index
        %get3A_425 = tpu.vector_load %arg8[%get3A_423, %get3A_424] {strides = array<i32>} : memref<128x128xf32, #tpu.memory_space<vmem>>, vector<16xf32>,
        %get3A_426 = arith.index_cast %add3A_404 : i32 to index
        %get3A_427 = arith.constant 32 : index
        %get3A_428 = tpu.vector_load %arg9[%get3A_426, %get3A_427] {strides = array<i32>} : memref<128x128xf32, #tpu.memory_space<vmem>>, vector<16xf32>,
        %mul3A_429 = arith.mulf %get3A_425, %get3A_428 : vector<16xf32>
        %add3A_430 = arith.addf %add3A_422, %mul3A_429 : vector<16xf32>
        %get3A_431 = arith.index_cast %add3A_404 : i32 to index
        %get3A_432 = arith.constant 48 : index
        %get3A_433 = tpu.vector_load %arg8[%get3A_431, %get3A_432] {strides = array<i32>} : memref<128x128xf32, #tpu.memory_space<vmem>>, vector<16xf32>,
        %get3A_434 = arith.index_cast %add3A_404 : i32 to index
        %get3A_435 = arith.constant 48 : index
        %get3A_436 = tpu.vector_load %arg9[%get3A_434, %get3A_435] {strides = array<i32>} : memref<128x128xf32, #tpu.memory_space<vmem>>, vector<16xf32>,
        %mul3A_437 = arith.mulf %get3A_433, %get3A_436 : vector<16xf32>
        %add3A_438 = arith.addf %add3A_430, %mul3A_437 : vector<16xf32>
        %get3A_439 = arith.index_cast %add3A_404 : i32 to index
        %get3A_440 = arith.constant 64 : index
        %get3A_441 = tpu.vector_load %arg8[%get3A_439, %get3A_440] {strides = array<i32>} : memref<128x128xf32, #tpu.memory_space<vmem>>, vector<16xf32>,
        %get3A_442 = arith.index_cast %add3A_404 : i32 to index
        %get3A_443 = arith.constant 64 : index
        %get3A_444 = tpu.vector_load %arg9[%get3A_442, %get3A_443] {strides = array<i32>} : memref<128x128xf32, #tpu.memory_space<vmem>>, vector<16xf32>,
        %mul3A_445 = arith.mulf %get3A_441, %get3A_444 : vector<16xf32>
        %add3A_446 = arith.addf %add3A_438, %mul3A_445 : vector<16xf32>
        %get3A_447 = arith.index_cast %add3A_404 : i32 to index
        %get3A_448 = arith.constant 80 : index
        %get3A_449 = tpu.vector_load %arg8[%get3A_447, %get3A_448] {strides = array<i32>} : memref<128x128xf32, #tpu.memory_space<vmem>>, vector<16xf32>,
        %get3A_450 = arith.index_cast %add3A_404 : i32 to index
        %get3A_451 = arith.constant 80 : index
        %get3A_452 = tpu.vector_load %arg9[%get3A_450, %get3A_451] {strides = array<i32>} : memref<128x128xf32, #tpu.memory_space<vmem>>, vector<16xf32>,
        %mul3A_453 = arith.mulf %get3A_449, %get3A_452 : vector<16xf32>
        %add3A_454 = arith.addf %add3A_446, %mul3A_453 : vector<16xf32>
        %get3A_455 = arith.index_cast %add3A_404 : i32 to index
        %get3A_456 = arith.constant 96 : index
        %get3A_457 = tpu.vector_load %arg8[%get3A_455, %get3A_456] {strides = array<i32>} : memref<128x128xf32, #tpu.memory_space<vmem>>, vector<16xf32>,
        %get3A_458 = arith.index_cast %add3A_404 : i32 to index
        %get3A_459 = arith.constant 96 : index
        %get3A_460 = tpu.vector_load %arg9[%get3A_458, %get3A_459] {strides = array<i32>} : memref<128x128xf32, #tpu.memory_space<vmem>>, vector<16xf32>,
        %mul3A_461 = arith.mulf %get3A_457, %get3A_460 : vector<16xf32>
        %add3A_462 = arith.addf %add3A_454, %mul3A_461 : vector<16xf32>
        %get3A_463 = arith.index_cast %add3A_404 : i32 to index
        %get3A_464 = arith.constant 112 : index
        %get3A_465 = tpu.vector_load %arg8[%get3A_463, %get3A_464] {strides = array<i32>} : memref<128x128xf32, #tpu.memory_space<vmem>>, vector<16xf32>,
        %get3A_466 = arith.index_cast %add3A_404 : i32 to index
        %get3A_467 = arith.constant 112 : index
        %get3A_468 = tpu.vector_load %arg9[%get3A_466, %get3A_467] {strides = array<i32>} : memref<128x128xf32, #tpu.memory_space<vmem>>, vector<16xf32>,
        %mul3A_469 = arith.mulf %get3A_465, %get3A_468 : vector<16xf32>
        %add3A_470 = arith.addf %add3A_462, %mul3A_469 : vector<16xf32>
        %swap3A_471 = arith.constant 80 : index
        %swap3A_472 = tpu.vector_load %arg11[%swap3A_471] {strides = array<i32>} : memref<256xf32, #tpu.memory_space<vmem>>, vector<16xf32>,
        tpu.vector_store %arg11[%swap3A_471], %add3A_470 {strides = array<i32>} : memref<256xf32, #tpu.memory_space<vmem>>, vector<16xf32>,
        %mul3A_473 = arith.constant 16 : i32
        %mul3A_474 = arith.muli %scan3A_42, %mul3A_473 : i32
        %add3A_475 = arith.constant 6 : i32
        %add3A_476 = arith.addi %mul3A_474, %add3A_475 : i32
        %broadcast_in_dim3A_477 = arith.constant 0.000000e+00 : f32
        %broadcast_in_dim3A_478 = vector.broadcast %broadcast_in_dim3A_477 : f32 to vector<16xf32>
        %get3A_479 = arith.index_cast %add3A_476 : i32 to index
        %get3A_480 = arith.constant 0 : index
        %get3A_481 = tpu.vector_load %arg8[%get3A_479, %get3A_480] {strides = array<i32>} : memref<128x128xf32, #tpu.memory_space<vmem>>, vector<16xf32>,
        %get3A_482 = arith.index_cast %add3A_476 : i32 to index
        %get3A_483 = arith.constant 0 : index
        %get3A_484 = tpu.vector_load %arg9[%get3A_482, %get3A_483] {strides = array<i32>} : memref<128x128xf32, #tpu.memory_space<vmem>>, vector<16xf32>,
        %mul3A_485 = arith.mulf %get3A_481, %get3A_484 : vector<16xf32>
        %add3A_486 = arith.addf %broadcast_in_dim3A_478, %mul3A_485 : vector<16xf32>
        %get3A_487 = arith.index_cast %add3A_476 : i32 to index
        %get3A_488 = arith.constant 16 : index
        %get3A_489 = tpu.vector_load %arg8[%get3A_487, %get3A_488] {strides = array<i32>} : memref<128x128xf32, #tpu.memory_space<vmem>>, vector<16xf32>,
        %get3A_490 = arith.index_cast %add3A_476 : i32 to index
        %get3A_491 = arith.constant 16 : index
        %get3A_492 = tpu.vector_load %arg9[%get3A_490, %get3A_491] {strides = array<i32>} : memref<128x128xf32, #tpu.memory_space<vmem>>, vector<16xf32>,
        %mul3A_493 = arith.mulf %get3A_489, %get3A_492 : vector<16xf32>
        %add3A_494 = arith.addf %add3A_486, %mul3A_493 : vector<16xf32>
        %get3A_495 = arith.index_cast %add3A_476 : i32 to index
        %get3A_496 = arith.constant 32 : index
        %get3A_497 = tpu.vector_load %arg8[%get3A_495, %get3A_496] {strides = array<i32>} : memref<128x128xf32, #tpu.memory_space<vmem>>, vector<16xf32>,
        %get3A_498 = arith.index_cast %add3A_476 : i32 to index
        %get3A_499 = arith.constant 32 : index
        %get3A_500 = tpu.vector_load %arg9[%get3A_498, %get3A_499] {strides = array<i32>} : memref<128x128xf32, #tpu.memory_space<vmem>>, vector<16xf32>,
        %mul3A_501 = arith.mulf %get3A_497, %get3A_500 : vector<16xf32>
        %add3A_502 = arith.addf %add3A_494, %mul3A_501 : vector<16xf32>
        %get3A_503 = arith.index_cast %add3A_476 : i32 to index
        %get3A_504 = arith.constant 48 : index
        %get3A_505 = tpu.vector_load %arg8[%get3A_503, %get3A_504] {strides = array<i32>} : memref<128x128xf32, #tpu.memory_space<vmem>>, vector<16xf32>,
        %get3A_506 = arith.index_cast %add3A_476 : i32 to index
        %get3A_507 = arith.constant 48 : index
        %get3A_508 = tpu.vector_load %arg9[%get3A_506, %get3A_507] {strides = array<i32>} : memref<128x128xf32, #tpu.memory_space<vmem>>, vector<16xf32>,
        %mul3A_509 = arith.mulf %get3A_505, %get3A_508 : vector<16xf32>
        %add3A_510 = arith.addf %add3A_502, %mul3A_509 : vector<16xf32>
        %get3A_511 = arith.index_cast %add3A_476 : i32 to index
        %get3A_512 = arith.constant 64 : index
        %get3A_513 = tpu.vector_load %arg8[%get3A_511, %get3A_512] {strides = array<i32>} : memref<128x128xf32, #tpu.memory_space<vmem>>, vector<16xf32>,
        %get3A_514 = arith.index_cast %add3A_476 : i32 to index
        %get3A_515 = arith.constant 64 : index
        %get3A_516 = tpu.vector_load %arg9[%get3A_514, %get3A_515] {strides = array<i32>} : memref<128x128xf32, #tpu.memory_space<vmem>>, vector<16xf32>,
        %mul3A_517 = arith.mulf %get3A_513, %get3A_516 : vector<16xf32>
        %add3A_518 = arith.addf %add3A_510, %mul3A_517 : vector<16xf32>
        %get3A_519 = arith.index_cast %add3A_476 : i32 to index
        %get3A_520 = arith.constant 80 : index
        %get3A_521 = tpu.vector_load %arg8[%get3A_519, %get3A_520] {strides = array<i32>} : memref<128x128xf32, #tpu.memory_space<vmem>>, vector<16xf32>,
        %get3A_522 = arith.index_cast %add3A_476 : i32 to index
        %get3A_523 = arith.constant 80 : index
        %get3A_524 = tpu.vector_load %arg9[%get3A_522, %get3A_523] {strides = array<i32>} : memref<128x128xf32, #tpu.memory_space<vmem>>, vector<16xf32>,
        %mul3A_525 = arith.mulf %get3A_521, %get3A_524 : vector<16xf32>
        %add3A_526 = arith.addf %add3A_518, %mul3A_525 : vector<16xf32>
        %get3A_527 = arith.index_cast %add3A_476 : i32 to index
        %get3A_528 = arith.constant 96 : index
        %get3A_529 = tpu.vector_load %arg8[%get3A_527, %get3A_528] {strides = array<i32>} : memref<128x128xf32, #tpu.memory_space<vmem>>, vector<16xf32>,
        %get3A_530 = arith.index_cast %add3A_476 : i32 to index
        %get3A_531 = arith.constant 96 : index
        %get3A_532 = tpu.vector_load %arg9[%get3A_530, %get3A_531] {strides = array<i32>} : memref<128x128xf32, #tpu.memory_space<vmem>>, vector<16xf32>,
        %mul3A_533 = arith.mulf %get3A_529, %get3A_532 : vector<16xf32>
        %add3A_534 = arith.addf %add3A_526, %mul3A_533 : vector<16xf32>
        %get3A_535 = arith.index_cast %add3A_476 : i32 to index
        %get3A_536 = arith.constant 112 : index
        %get3A_537 = tpu.vector_load %arg8[%get3A_535, %get3A_536] {strides = array<i32>} : memref<128x128xf32, #tpu.memory_space<vmem>>, vector<16xf32>,
        %get3A_538 = arith.index_cast %add3A_476 : i32 to index
        %get3A_539 = arith.constant 112 : index
        %get3A_540 = tpu.vector_load %arg9[%get3A_538, %get3A_539] {strides = array<i32>} : memref<128x128xf32, #tpu.memory_space<vmem>>, vector<16xf32>,
        %mul3A_541 = arith.mulf %get3A_537, %get3A_540 : vector<16xf32>
        %add3A_542 = arith.addf %add3A_534, %mul3A_541 : vector<16xf32>
        %swap3A_543 = arith.constant 96 : index
        %swap3A_544 = tpu.vector_load %arg11[%swap3A_543] {strides = array<i32>} : memref<256xf32, #tpu.memory_space<vmem>>, vector<16xf32>,
        tpu.vector_store %arg11[%swap3A_543], %add3A_542 {strides = array<i32>} : memref<256xf32, #tpu.memory_space<vmem>>, vector<16xf32>,
        %mul3A_545 = arith.constant 16 : i32
        %mul3A_546 = arith.muli %scan3A_42, %mul3A_545 : i32
        %add3A_547 = arith.constant 7 : i32
        %add3A_548 = arith.addi %mul3A_546, %add3A_547 : i32
        %broadcast_in_dim3A_549 = arith.constant 0.000000e+00 : f32
        %broadcast_in_dim3A_550 = vector.broadcast %broadcast_in_dim3A_549 : f32 to vector<16xf32>
        %get3A_551 = arith.index_cast %add3A_548 : i32 to index
        %get3A_552 = arith.constant 0 : index
        %get3A_553 = tpu.vector_load %arg8[%get3A_551, %get3A_552] {strides = array<i32>} : memref<128x128xf32, #tpu.memory_space<vmem>>, vector<16xf32>,
        %get3A_554 = arith.index_cast %add3A_548 : i32 to index
        %get3A_555 = arith.constant 0 : index
        %get3A_556 = tpu.vector_load %arg9[%get3A_554, %get3A_555] {strides = array<i32>} : memref<128x128xf32, #tpu.memory_space<vmem>>, vector<16xf32>,
        %mul3A_557 = arith.mulf %get3A_553, %get3A_556 : vector<16xf32>
        %add3A_558 = arith.addf %broadcast_in_dim3A_550, %mul3A_557 : vector<16xf32>
        %get3A_559 = arith.index_cast %add3A_548 : i32 to index
        %get3A_560 = arith.constant 16 : index
        %get3A_561 = tpu.vector_load %arg8[%get3A_559, %get3A_560] {strides = array<i32>} : memref<128x128xf32, #tpu.memory_space<vmem>>, vector<16xf32>,
        %get3A_562 = arith.index_cast %add3A_548 : i32 to index
        %get3A_563 = arith.constant 16 : index
        %get3A_564 = tpu.vector_load %arg9[%get3A_562, %get3A_563] {strides = array<i32>} : memref<128x128xf32, #tpu.memory_space<vmem>>, vector<16xf32>,
        %mul3A_565 = arith.mulf %get3A_561, %get3A_564 : vector<16xf32>
        %add3A_566 = arith.addf %add3A_558, %mul3A_565 : vector<16xf32>
        %get3A_567 = arith.index_cast %add3A_548 : i32 to index
        %get3A_568 = arith.constant 32 : index
        %get3A_569 = tpu.vector_load %arg8[%get3A_567, %get3A_568] {strides = array<i32>} : memref<128x128xf32, #tpu.memory_space<vmem>>, vector<16xf32>,
        %get3A_570 = arith.index_cast %add3A_548 : i32 to index
        %get3A_571 = arith.constant 32 : index
        %get3A_572 = tpu.vector_load %arg9[%get3A_570, %get3A_571] {strides = array<i32>} : memref<128x128xf32, #tpu.memory_space<vmem>>, vector<16xf32>,
        %mul3A_573 = arith.mulf %get3A_569, %get3A_572 : vector<16xf32>
        %add3A_574 = arith.addf %add3A_566, %mul3A_573 : vector<16xf32>
        %get3A_575 = arith.index_cast %add3A_548 : i32 to index
        %get3A_576 = arith.constant 48 : index
        %get3A_577 = tpu.vector_load %arg8[%get3A_575, %get3A_576] {strides = array<i32>} : memref<128x128xf32, #tpu.memory_space<vmem>>, vector<16xf32>,
        %get3A_578 = arith.index_cast %add3A_548 : i32 to index
        %get3A_579 = arith.constant 48 : index
        %get3A_580 = tpu.vector_load %arg9[%get3A_578, %get3A_579] {strides = array<i32>} : memref<128x128xf32, #tpu.memory_space<vmem>>, vector<16xf32>,
        %mul3A_581 = arith.mulf %get3A_577, %get3A_580 : vector<16xf32>
        %add3A_582 = arith.addf %add3A_574, %mul3A_581 : vector<16xf32>
        %get3A_583 = arith.index_cast %add3A_548 : i32 to index
        %get3A_584 = arith.constant 64 : index
        %get3A_585 = tpu.vector_load %arg8[%get3A_583, %get3A_584] {strides = array<i32>} : memref<128x128xf32, #tpu.memory_space<vmem>>, vector<16xf32>,
        %get3A_586 = arith.index_cast %add3A_548 : i32 to index
        %get3A_587 = arith.constant 64 : index
        %get3A_588 = tpu.vector_load %arg9[%get3A_586, %get3A_587] {strides = array<i32>} : memref<128x128xf32, #tpu.memory_space<vmem>>, vector<16xf32>,
        %mul3A_589 = arith.mulf %get3A_585, %get3A_588 : vector<16xf32>
        %add3A_590 = arith.addf %add3A_582, %mul3A_589 : vector<16xf32>
        %get3A_591 = arith.index_cast %add3A_548 : i32 to index
        %get3A_592 = arith.constant 80 : index
        %get3A_593 = tpu.vector_load %arg8[%get3A_591, %get3A_592] {strides = array<i32>} : memref<128x128xf32, #tpu.memory_space<vmem>>, vector<16xf32>,
        %get3A_594 = arith.index_cast %add3A_548 : i32 to index
        %get3A_595 = arith.constant 80 : index
        %get3A_596 = tpu.vector_load %arg9[%get3A_594, %get3A_595] {strides = array<i32>} : memref<128x128xf32, #tpu.memory_space<vmem>>, vector<16xf32>,
        %mul3A_597 = arith.mulf %get3A_593, %get3A_596 : vector<16xf32>
        %add3A_598 = arith.addf %add3A_590, %mul3A_597 : vector<16xf32>
        %get3A_599 = arith.index_cast %add3A_548 : i32 to index
        %get3A_600 = arith.constant 96 : index
        %get3A_601 = tpu.vector_load %arg8[%get3A_599, %get3A_600] {strides = array<i32>} : memref<128x128xf32, #tpu.memory_space<vmem>>, vector<16xf32>,
        %get3A_602 = arith.index_cast %add3A_548 : i32 to index
        %get3A_603 = arith.constant 96 : index
        %get3A_604 = tpu.vector_load %arg9[%get3A_602, %get3A_603] {strides = array<i32>} : memref<128x128xf32, #tpu.memory_space<vmem>>, vector<16xf32>,
        %mul3A_605 = arith.mulf %get3A_601, %get3A_604 : vector<16xf32>
        %add3A_606 = arith.addf %add3A_598, %mul3A_605 : vector<16xf32>
        %get3A_607 = arith.index_cast %add3A_548 : i32 to index
        %get3A_608 = arith.constant 112 : index
        %get3A_609 = tpu.vector_load %arg8[%get3A_607, %get3A_608] {strides = array<i32>} : memref<128x128xf32, #tpu.memory_space<vmem>>, vector<16xf32>,
        %get3A_610 = arith.index_cast %add3A_548 : i32 to index
        %get3A_611 = arith.constant 112 : index
        %get3A_612 = tpu.vector_load %arg9[%get3A_610, %get3A_611] {strides = array<i32>} : memref<128x128xf32, #tpu.memory_space<vmem>>, vector<16xf32>,
        %mul3A_613 = arith.mulf %get3A_609, %get3A_612 : vector<16xf32>
        %add3A_614 = arith.addf %add3A_606, %mul3A_613 : vector<16xf32>
        %swap3A_615 = arith.constant 112 : index
        %swap3A_616 = tpu.vector_load %arg11[%swap3A_615] {strides = array<i32>} : memref<256xf32, #tpu.memory_space<vmem>>, vector<16xf32>,
        tpu.vector_store %arg11[%swap3A_615], %add3A_614 {strides = array<i32>} : memref<256xf32, #tpu.memory_space<vmem>>, vector<16xf32>,
        %mul3A_617 = arith.constant 16 : i32
        %mul3A_618 = arith.muli %scan3A_42, %mul3A_617 : i32
        %add3A_619 = arith.constant 8 : i32
        %add3A_620 = arith.addi %mul3A_618, %add3A_619 : i32
        %broadcast_in_dim3A_621 = arith.constant 0.000000e+00 : f32
        %broadcast_in_dim3A_622 = vector.broadcast %broadcast_in_dim3A_621 : f32 to vector<16xf32>
        %get3A_623 = arith.index_cast %add3A_620 : i32 to index
        %get3A_624 = arith.constant 0 : index
        %get3A_625 = tpu.vector_load %arg8[%get3A_623, %get3A_624] {strides = array<i32>} : memref<128x128xf32, #tpu.memory_space<vmem>>, vector<16xf32>,
        %get3A_626 = arith.index_cast %add3A_620 : i32 to index
        %get3A_627 = arith.constant 0 : index
        %get3A_628 = tpu.vector_load %arg9[%get3A_626, %get3A_627] {strides = array<i32>} : memref<128x128xf32, #tpu.memory_space<vmem>>, vector<16xf32>,
        %mul3A_629 = arith.mulf %get3A_625, %get3A_628 : vector<16xf32>
        %add3A_630 = arith.addf %broadcast_in_dim3A_622, %mul3A_629 : vector<16xf32>
        %get3A_631 = arith.index_cast %add3A_620 : i32 to index
        %get3A_632 = arith.constant 16 : index
        %get3A_633 = tpu.vector_load %arg8[%get3A_631, %get3A_632] {strides = array<i32>} : memref<128x128xf32, #tpu.memory_space<vmem>>, vector<16xf32>,
        %get3A_634 = arith.index_cast %add3A_620 : i32 to index
        %get3A_635 = arith.constant 16 : index
        %get3A_636 = tpu.vector_load %arg9[%get3A_634, %get3A_635] {strides = array<i32>} : memref<128x128xf32, #tpu.memory_space<vmem>>, vector<16xf32>,
        %mul3A_637 = arith.mulf %get3A_633, %get3A_636 : vector<16xf32>
        %add3A_638 = arith.addf %add3A_630, %mul3A_637 : vector<16xf32>
        %get3A_639 = arith.index_cast %add3A_620 : i32 to index
        %get3A_640 = arith.constant 32 : index
        %get3A_641 = tpu.vector_load %arg8[%get3A_639, %get3A_640] {strides = array<i32>} : memref<128x128xf32, #tpu.memory_space<vmem>>, vector<16xf32>,
        %get3A_642 = arith.index_cast %add3A_620 : i32 to index
        %get3A_643 = arith.constant 32 : index
        %get3A_644 = tpu.vector_load %arg9[%get3A_642, %get3A_643] {strides = array<i32>} : memref<128x128xf32, #tpu.memory_space<vmem>>, vector<16xf32>,
        %mul3A_645 = arith.mulf %get3A_641, %get3A_644 : vector<16xf32>
        %add3A_646 = arith.addf %add3A_638, %mul3A_645 : vector<16xf32>
        %get3A_647 = arith.index_cast %add3A_620 : i32 to index
        %get3A_648 = arith.constant 48 : index
        %get3A_649 = tpu.vector_load %arg8[%get3A_647, %get3A_648] {strides = array<i32>} : memref<128x128xf32, #tpu.memory_space<vmem>>, vector<16xf32>,
        %get3A_650 = arith.index_cast %add3A_620 : i32 to index
        %get3A_651 = arith.constant 48 : index
        %get3A_652 = tpu.vector_load %arg9[%get3A_650, %get3A_651] {strides = array<i32>} : memref<128x128xf32, #tpu.memory_space<vmem>>, vector<16xf32>,
        %mul3A_653 = arith.mulf %get3A_649, %get3A_652 : vector<16xf32>
        %add3A_654 = arith.addf %add3A_646, %mul3A_653 : vector<16xf32>
        %get3A_655 = arith.index_cast %add3A_620 : i32 to index
        %get3A_656 = arith.constant 64 : index
        %get3A_657 = tpu.vector_load %arg8[%get3A_655, %get3A_656] {strides = array<i32>} : memref<128x128xf32, #tpu.memory_space<vmem>>, vector<16xf32>,
        %get3A_658 = arith.index_cast %add3A_620 : i32 to index
        %get3A_659 = arith.constant 64 : index
        %get3A_660 = tpu.vector_load %arg9[%get3A_658, %get3A_659] {strides = array<i32>} : memref<128x128xf32, #tpu.memory_space<vmem>>, vector<16xf32>,
        %mul3A_661 = arith.mulf %get3A_657, %get3A_660 : vector<16xf32>
        %add3A_662 = arith.addf %add3A_654, %mul3A_661 : vector<16xf32>
        %get3A_663 = arith.index_cast %add3A_620 : i32 to index
        %get3A_664 = arith.constant 80 : index
        %get3A_665 = tpu.vector_load %arg8[%get3A_663, %get3A_664] {strides = array<i32>} : memref<128x128xf32, #tpu.memory_space<vmem>>, vector<16xf32>,
        %get3A_666 = arith.index_cast %add3A_620 : i32 to index
        %get3A_667 = arith.constant 80 : index
        %get3A_668 = tpu.vector_load %arg9[%get3A_666, %get3A_667] {strides = array<i32>} : memref<128x128xf32, #tpu.memory_space<vmem>>, vector<16xf32>,
        %mul3A_669 = arith.mulf %get3A_665, %get3A_668 : vector<16xf32>
        %add3A_670 = arith.addf %add3A_662, %mul3A_669 : vector<16xf32>
        %get3A_671 = arith.index_cast %add3A_620 : i32 to index
        %get3A_672 = arith.constant 96 : index
        %get3A_673 = tpu.vector_load %arg8[%get3A_671, %get3A_672] {strides = array<i32>} : memref<128x128xf32, #tpu.memory_space<vmem>>, vector<16xf32>,
        %get3A_674 = arith.index_cast %add3A_620 : i32 to index
        %get3A_675 = arith.constant 96 : index
        %get3A_676 = tpu.vector_load %arg9[%get3A_674, %get3A_675] {strides = array<i32>} : memref<128x128xf32, #tpu.memory_space<vmem>>, vector<16xf32>,
        %mul3A_677 = arith.mulf %get3A_673, %get3A_676 : vector<16xf32>
        %add3A_678 = arith.addf %add3A_670, %mul3A_677 : vector<16xf32>
        %get3A_679 = arith.index_cast %add3A_620 : i32 to index
        %get3A_680 = arith.constant 112 : index
        %get3A_681 = tpu.vector_load %arg8[%get3A_679, %get3A_680] {strides = array<i32>} : memref<128x128xf32, #tpu.memory_space<vmem>>, vector<16xf32>,
        %get3A_682 = arith.index_cast %add3A_620 : i32 to index
        %get3A_683 = arith.constant 112 : index
        %get3A_684 = tpu.vector_load %arg9[%get3A_682, %get3A_683] {strides = array<i32>} : memref<128x128xf32, #tpu.memory_space<vmem>>, vector<16xf32>,
        %mul3A_685 = arith.mulf %get3A_681, %get3A_684 : vector<16xf32>
        %add3A_686 = arith.addf %add3A_678, %mul3A_685 : vector<16xf32>
        %swap3A_687 = arith.constant 128 : index
        %swap3A_688 = tpu.vector_load %arg11[%swap3A_687] {strides = array<i32>} : memref<256xf32, #tpu.memory_space<vmem>>, vector<16xf32>,
        tpu.vector_store %arg11[%swap3A_687], %add3A_686 {strides = array<i32>} : memref<256xf32, #tpu.memory_space<vmem>>, vector<16xf32>,
        %mul3A_689 = arith.constant 16 : i32
        %mul3A_690 = arith.muli %scan3A_42, %mul3A_689 : i32
        %add3A_691 = arith.constant 9 : i32
        %add3A_692 = arith.addi %mul3A_690, %add3A_691 : i32
        %broadcast_in_dim3A_693 = arith.constant 0.000000e+00 : f32
        %broadcast_in_dim3A_694 = vector.broadcast %broadcast_in_dim3A_693 : f32 to vector<16xf32>
        %get3A_695 = arith.index_cast %add3A_692 : i32 to index
        %get3A_696 = arith.constant 0 : index
        %get3A_697 = tpu.vector_load %arg8[%get3A_695, %get3A_696] {strides = array<i32>} : memref<128x128xf32, #tpu.memory_space<vmem>>, vector<16xf32>,
        %get3A_698 = arith.index_cast %add3A_692 : i32 to index
        %get3A_699 = arith.constant 0 : index
        %get3A_700 = tpu.vector_load %arg9[%get3A_698, %get3A_699] {strides = array<i32>} : memref<128x128xf32, #tpu.memory_space<vmem>>, vector<16xf32>,
        %mul3A_701 = arith.mulf %get3A_697, %get3A_700 : vector<16xf32>
        %add3A_702 = arith.addf %broadcast_in_dim3A_694, %mul3A_701 : vector<16xf32>
        %get3A_703 = arith.index_cast %add3A_692 : i32 to index
        %get3A_704 = arith.constant 16 : index
        %get3A_705 = tpu.vector_load %arg8[%get3A_703, %get3A_704] {strides = array<i32>} : memref<128x128xf32, #tpu.memory_space<vmem>>, vector<16xf32>,
        %get3A_706 = arith.index_cast %add3A_692 : i32 to index
        %get3A_707 = arith.constant 16 : index
        %get3A_708 = tpu.vector_load %arg9[%get3A_706, %get3A_707] {strides = array<i32>} : memref<128x128xf32, #tpu.memory_space<vmem>>, vector<16xf32>,
        %mul3A_709 = arith.mulf %get3A_705, %get3A_708 : vector<16xf32>
        %add3A_710 = arith.addf %add3A_702, %mul3A_709 : vector<16xf32>
        %get3A_711 = arith.index_cast %add3A_692 : i32 to index
        %get3A_712 = arith.constant 32 : index
        %get3A_713 = tpu.vector_load %arg8[%get3A_711, %get3A_712] {strides = array<i32>} : memref<128x128xf32, #tpu.memory_space<vmem>>, vector<16xf32>,
        %get3A_714 = arith.index_cast %add3A_692 : i32 to index
        %get3A_715 = arith.constant 32 : index
        %get3A_716 = tpu.vector_load %arg9[%get3A_714, %get3A_715] {strides = array<i32>} : memref<128x128xf32, #tpu.memory_space<vmem>>, vector<16xf32>,
        %mul3A_717 = arith.mulf %get3A_713, %get3A_716 : vector<16xf32>
        %add3A_718 = arith.addf %add3A_710, %mul3A_717 : vector<16xf32>
        %get3A_719 = arith.index_cast %add3A_692 : i32 to index
        %get3A_720 = arith.constant 48 : index
        %get3A_721 = tpu.vector_load %arg8[%get3A_719, %get3A_720] {strides = array<i32>} : memref<128x128xf32, #tpu.memory_space<vmem>>, vector<16xf32>,
        %get3A_722 = arith.index_cast %add3A_692 : i32 to index
        %get3A_723 = arith.constant 48 : index
        %get3A_724 = tpu.vector_load %arg9[%get3A_722, %get3A_723] {strides = array<i32>} : memref<128x128xf32, #tpu.memory_space<vmem>>, vector<16xf32>,
        %mul3A_725 = arith.mulf %get3A_721, %get3A_724 : vector<16xf32>
        %add3A_726 = arith.addf %add3A_718, %mul3A_725 : vector<16xf32>
        %get3A_727 = arith.index_cast %add3A_692 : i32 to index
        %get3A_728 = arith.constant 64 : index
        %get3A_729 = tpu.vector_load %arg8[%get3A_727, %get3A_728] {strides = array<i32>} : memref<128x128xf32, #tpu.memory_space<vmem>>, vector<16xf32>,
        %get3A_730 = arith.index_cast %add3A_692 : i32 to index
        %get3A_731 = arith.constant 64 : index
        %get3A_732 = tpu.vector_load %arg9[%get3A_730, %get3A_731] {strides = array<i32>} : memref<128x128xf32, #tpu.memory_space<vmem>>, vector<16xf32>,
        %mul3A_733 = arith.mulf %get3A_729, %get3A_732 : vector<16xf32>
        %add3A_734 = arith.addf %add3A_726, %mul3A_733 : vector<16xf32>
        %get3A_735 = arith.index_cast %add3A_692 : i32 to index
        %get3A_736 = arith.constant 80 : index
        %get3A_737 = tpu.vector_load %arg8[%get3A_735, %get3A_736] {strides = array<i32>} : memref<128x128xf32, #tpu.memory_space<vmem>>, vector<16xf32>,
        %get3A_738 = arith.index_cast %add3A_692 : i32 to index
        %get3A_739 = arith.constant 80 : index
        %get3A_740 = tpu.vector_load %arg9[%get3A_738, %get3A_739] {strides = array<i32>} : memref<128x128xf32, #tpu.memory_space<vmem>>, vector<16xf32>,
        %mul3A_741 = arith.mulf %get3A_737, %get3A_740 : vector<16xf32>
        %add3A_742 = arith.addf %add3A_734, %mul3A_741 : vector<16xf32>
        %get3A_743 = arith.index_cast %add3A_692 : i32 to index
        %get3A_744 = arith.constant 96 : index
        %get3A_745 = tpu.vector_load %arg8[%get3A_743, %get3A_744] {strides = array<i32>} : memref<128x128xf32, #tpu.memory_space<vmem>>, vector<16xf32>,
        %get3A_746 = arith.index_cast %add3A_692 : i32 to index
        %get3A_747 = arith.constant 96 : index
        %get3A_748 = tpu.vector_load %arg9[%get3A_746, %get3A_747] {strides = array<i32>} : memref<128x128xf32, #tpu.memory_space<vmem>>, vector<16xf32>,
        %mul3A_749 = arith.mulf %get3A_745, %get3A_748 : vector<16xf32>
        %add3A_750 = arith.addf %add3A_742, %mul3A_749 : vector<16xf32>
        %get3A_751 = arith.index_cast %add3A_692 : i32 to index
        %get3A_752 = arith.constant 112 : index
        %get3A_753 = tpu.vector_load %arg8[%get3A_751, %get3A_752] {strides = array<i32>} : memref<128x128xf32, #tpu.memory_space<vmem>>, vector<16xf32>,
        %get3A_754 = arith.index_cast %add3A_692 : i32 to index
        %get3A_755 = arith.constant 112 : index
        %get3A_756 = tpu.vector_load %arg9[%get3A_754, %get3A_755] {strides = array<i32>} : memref<128x128xf32, #tpu.memory_space<vmem>>, vector<16xf32>,
        %mul3A_757 = arith.mulf %get3A_753, %get3A_756 : vector<16xf32>
        %add3A_758 = arith.addf %add3A_750, %mul3A_757 : vector<16xf32>
        %swap3A_759 = arith.constant 144 : index
        %swap3A_760 = tpu.vector_load %arg11[%swap3A_759] {strides = array<i32>} : memref<256xf32, #tpu.memory_space<vmem>>, vector<16xf32>,
        tpu.vector_store %arg11[%swap3A_759], %add3A_758 {strides = array<i32>} : memref<256xf32, #tpu.memory_space<vmem>>, vector<16xf32>,
        %mul3A_761 = arith.constant 16 : i32
        %mul3A_762 = arith.muli %scan3A_42, %mul3A_761 : i32
        %add3A_763 = arith.constant 10 : i32
        %add3A_764 = arith.addi %mul3A_762, %add3A_763 : i32
        %broadcast_in_dim3A_765 = arith.constant 0.000000e+00 : f32
        %broadcast_in_dim3A_766 = vector.broadcast %broadcast_in_dim3A_765 : f32 to vector<16xf32>
        %get3A_767 = arith.index_cast %add3A_764 : i32 to index
        %get3A_768 = arith.constant 0 : index
        %get3A_769 = tpu.vector_load %arg8[%get3A_767, %get3A_768] {strides = array<i32>} : memref<128x128xf32, #tpu.memory_space<vmem>>, vector<16xf32>,
        %get3A_770 = arith.index_cast %add3A_764 : i32 to index
        %get3A_771 = arith.constant 0 : index
        %get3A_772 = tpu.vector_load %arg9[%get3A_770, %get3A_771] {strides = array<i32>} : memref<128x128xf32, #tpu.memory_space<vmem>>, vector<16xf32>,
        %mul3A_773 = arith.mulf %get3A_769, %get3A_772 : vector<16xf32>
        %add3A_774 = arith.addf %broadcast_in_dim3A_766, %mul3A_773 : vector<16xf32>
        %get3A_775 = arith.index_cast %add3A_764 : i32 to index
        %get3A_776 = arith.constant 16 : index
        %get3A_777 = tpu.vector_load %arg8[%get3A_775, %get3A_776] {strides = array<i32>} : memref<128x128xf32, #tpu.memory_space<vmem>>, vector<16xf32>,
        %get3A_778 = arith.index_cast %add3A_764 : i32 to index
        %get3A_779 = arith.constant 16 : index
        %get3A_780 = tpu.vector_load %arg9[%get3A_778, %get3A_779] {strides = array<i32>} : memref<128x128xf32, #tpu.memory_space<vmem>>, vector<16xf32>,
        %mul3A_781 = arith.mulf %get3A_777, %get3A_780 : vector<16xf32>
        %add3A_782 = arith.addf %add3A_774, %mul3A_781 : vector<16xf32>
        %get3A_783 = arith.index_cast %add3A_764 : i32 to index
        %get3A_784 = arith.constant 32 : index
        %get3A_785 = tpu.vector_load %arg8[%get3A_783, %get3A_784] {strides = array<i32>} : memref<128x128xf32, #tpu.memory_space<vmem>>, vector<16xf32>,
        %get3A_786 = arith.index_cast %add3A_764 : i32 to index
        %get3A_787 = arith.constant 32 : index
        %get3A_788 = tpu.vector_load %arg9[%get3A_786, %get3A_787] {strides = array<i32>} : memref<128x128xf32, #tpu.memory_space<vmem>>, vector<16xf32>,
        %mul3A_789 = arith.mulf %get3A_785, %get3A_788 : vector<16xf32>
        %add3A_790 = arith.addf %add3A_782, %mul3A_789 : vector<16xf32>
        %get3A_791 = arith.index_cast %add3A_764 : i32 to index
        %get3A_792 = arith.constant 48 : index
        %get3A_793 = tpu.vector_load %arg8[%get3A_791, %get3A_792] {strides = array<i32>} : memref<128x128xf32, #tpu.memory_space<vmem>>, vector<16xf32>,
        %get3A_794 = arith.index_cast %add3A_764 : i32 to index
        %get3A_795 = arith.constant 48 : index
        %get3A_796 = tpu.vector_load %arg9[%get3A_794, %get3A_795] {strides = array<i32>} : memref<128x128xf32, #tpu.memory_space<vmem>>, vector<16xf32>,
        %mul3A_797 = arith.mulf %get3A_793, %get3A_796 : vector<16xf32>
        %add3A_798 = arith.addf %add3A_790, %mul3A_797 : vector<16xf32>
        %get3A_799 = arith.index_cast %add3A_764 : i32 to index
        %get3A_800 = arith.constant 64 : index
        %get3A_801 = tpu.vector_load %arg8[%get3A_799, %get3A_800] {strides = array<i32>} : memref<128x128xf32, #tpu.memory_space<vmem>>, vector<16xf32>,
        %get3A_802 = arith.index_cast %add3A_764 : i32 to index
        %get3A_803 = arith.constant 64 : index
        %get3A_804 = tpu.vector_load %arg9[%get3A_802, %get3A_803] {strides = array<i32>} : memref<128x128xf32, #tpu.memory_space<vmem>>, vector<16xf32>,
        %mul3A_805 = arith.mulf %get3A_801, %get3A_804 : vector<16xf32>
        %add3A_806 = arith.addf %add3A_798, %mul3A_805 : vector<16xf32>
        %get3A_807 = arith.index_cast %add3A_764 : i32 to index
        %get3A_808 = arith.constant 80 : index
        %get3A_809 = tpu.vector_load %arg8[%get3A_807, %get3A_808] {strides = array<i32>} : memref<128x128xf32, #tpu.memory_space<vmem>>, vector<16xf32>,
        %get3A_810 = arith.index_cast %add3A_764 : i32 to index
        %get3A_811 = arith.constant 80 : index
        %get3A_812 = tpu.vector_load %arg9[%get3A_810, %get3A_811] {strides = array<i32>} : memref<128x128xf32, #tpu.memory_space<vmem>>, vector<16xf32>,
        %mul3A_813 = arith.mulf %get3A_809, %get3A_812 : vector<16xf32>
        %add3A_814 = arith.addf %add3A_806, %mul3A_813 : vector<16xf32>
        %get3A_815 = arith.index_cast %add3A_764 : i32 to index
        %get3A_816 = arith.constant 96 : index
        %get3A_817 = tpu.vector_load %arg8[%get3A_815, %get3A_816] {strides = array<i32>} : memref<128x128xf32, #tpu.memory_space<vmem>>, vector<16xf32>,
        %get3A_818 = arith.index_cast %add3A_764 : i32 to index
        %get3A_819 = arith.constant 96 : index
        %get3A_820 = tpu.vector_load %arg9[%get3A_818, %get3A_819] {strides = array<i32>} : memref<128x128xf32, #tpu.memory_space<vmem>>, vector<16xf32>,
        %mul3A_821 = arith.mulf %get3A_817, %get3A_820 : vector<16xf32>
        %add3A_822 = arith.addf %add3A_814, %mul3A_821 : vector<16xf32>
        %get3A_823 = arith.index_cast %add3A_764 : i32 to index
        %get3A_824 = arith.constant 112 : index
        %get3A_825 = tpu.vector_load %arg8[%get3A_823, %get3A_824] {strides = array<i32>} : memref<128x128xf32, #tpu.memory_space<vmem>>, vector<16xf32>,
        %get3A_826 = arith.index_cast %add3A_764 : i32 to index
        %get3A_827 = arith.constant 112 : index
        %get3A_828 = tpu.vector_load %arg9[%get3A_826, %get3A_827] {strides = array<i32>} : memref<128x128xf32, #tpu.memory_space<vmem>>, vector<16xf32>,
        %mul3A_829 = arith.mulf %get3A_825, %get3A_828 : vector<16xf32>
        %add3A_830 = arith.addf %add3A_822, %mul3A_829 : vector<16xf32>
        %swap3A_831 = arith.constant 160 : index
        %swap3A_832 = tpu.vector_load %arg11[%swap3A_831] {strides = array<i32>} : memref<256xf32, #tpu.memory_space<vmem>>, vector<16xf32>,
        tpu.vector_store %arg11[%swap3A_831], %add3A_830 {strides = array<i32>} : memref<256xf32, #tpu.memory_space<vmem>>, vector<16xf32>,
        %mul3A_833 = arith.constant 16 : i32
        %mul3A_834 = arith.muli %scan3A_42, %mul3A_833 : i32
        %add3A_835 = arith.constant 11 : i32
        %add3A_836 = arith.addi %mul3A_834, %add3A_835 : i32
        %broadcast_in_dim3A_837 = arith.constant 0.000000e+00 : f32
        %broadcast_in_dim3A_838 = vector.broadcast %broadcast_in_dim3A_837 : f32 to vector<16xf32>
        %get3A_839 = arith.index_cast %add3A_836 : i32 to index
        %get3A_840 = arith.constant 0 : index
        %get3A_841 = tpu.vector_load %arg8[%get3A_839, %get3A_840] {strides = array<i32>} : memref<128x128xf32, #tpu.memory_space<vmem>>, vector<16xf32>,
        %get3A_842 = arith.index_cast %add3A_836 : i32 to index
        %get3A_843 = arith.constant 0 : index
        %get3A_844 = tpu.vector_load %arg9[%get3A_842, %get3A_843] {strides = array<i32>} : memref<128x128xf32, #tpu.memory_space<vmem>>, vector<16xf32>,
        %mul3A_845 = arith.mulf %get3A_841, %get3A_844 : vector<16xf32>
        %add3A_846 = arith.addf %broadcast_in_dim3A_838, %mul3A_845 : vector<16xf32>
        %get3A_847 = arith.index_cast %add3A_836 : i32 to index
        %get3A_848 = arith.constant 16 : index
        %get3A_849 = tpu.vector_load %arg8[%get3A_847, %get3A_848] {strides = array<i32>} : memref<128x128xf32, #tpu.memory_space<vmem>>, vector<16xf32>,
        %get3A_850 = arith.index_cast %add3A_836 : i32 to index
        %get3A_851 = arith.constant 16 : index
        %get3A_852 = tpu.vector_load %arg9[%get3A_850, %get3A_851] {strides = array<i32>} : memref<128x128xf32, #tpu.memory_space<vmem>>, vector<16xf32>,
        %mul3A_853 = arith.mulf %get3A_849, %get3A_852 : vector<16xf32>
        %add3A_854 = arith.addf %add3A_846, %mul3A_853 : vector<16xf32>
        %get3A_855 = arith.index_cast %add3A_836 : i32 to index
        %get3A_856 = arith.constant 32 : index
        %get3A_857 = tpu.vector_load %arg8[%get3A_855, %get3A_856] {strides = array<i32>} : memref<128x128xf32, #tpu.memory_space<vmem>>, vector<16xf32>,
        %get3A_858 = arith.index_cast %add3A_836 : i32 to index
        %get3A_859 = arith.constant 32 : index
        %get3A_860 = tpu.vector_load %arg9[%get3A_858, %get3A_859] {strides = array<i32>} : memref<128x128xf32, #tpu.memory_space<vmem>>, vector<16xf32>,
        %mul3A_861 = arith.mulf %get3A_857, %get3A_860 : vector<16xf32>
        %add3A_862 = arith.addf %add3A_854, %mul3A_861 : vector<16xf32>
        %get3A_863 = arith.index_cast %add3A_836 : i32 to index
        %get3A_864 = arith.constant 48 : index
        %get3A_865 = tpu.vector_load %arg8[%get3A_863, %get3A_864] {strides = array<i32>} : memref<128x128xf32, #tpu.memory_space<vmem>>, vector<16xf32>,
        %get3A_866 = arith.index_cast %add3A_836 : i32 to index
        %get3A_867 = arith.constant 48 : index
        %get3A_868 = tpu.vector_load %arg9[%get3A_866, %get3A_867] {strides = array<i32>} : memref<128x128xf32, #tpu.memory_space<vmem>>, vector<16xf32>,
        %mul3A_869 = arith.mulf %get3A_865, %get3A_868 : vector<16xf32>
        %add3A_870 = arith.addf %add3A_862, %mul3A_869 : vector<16xf32>
        %get3A_871 = arith.index_cast %add3A_836 : i32 to index
        %get3A_872 = arith.constant 64 : index
        %get3A_873 = tpu.vector_load %arg8[%get3A_871, %get3A_872] {strides = array<i32>} : memref<128x128xf32, #tpu.memory_space<vmem>>, vector<16xf32>,
        %get3A_874 = arith.index_cast %add3A_836 : i32 to index
        %get3A_875 = arith.constant 64 : index
        %get3A_876 = tpu.vector_load %arg9[%get3A_874, %get3A_875] {strides = array<i32>} : memref<128x128xf32, #tpu.memory_space<vmem>>, vector<16xf32>,
        %mul3A_877 = arith.mulf %get3A_873, %get3A_876 : vector<16xf32>
        %add3A_878 = arith.addf %add3A_870, %mul3A_877 : vector<16xf32>
        %get3A_879 = arith.index_cast %add3A_836 : i32 to index
        %get3A_880 = arith.constant 80 : index
        %get3A_881 = tpu.vector_load %arg8[%get3A_879, %get3A_880] {strides = array<i32>} : memref<128x128xf32, #tpu.memory_space<vmem>>, vector<16xf32>,
        %get3A_882 = arith.index_cast %add3A_836 : i32 to index
        %get3A_883 = arith.constant 80 : index
        %get3A_884 = tpu.vector_load %arg9[%get3A_882, %get3A_883] {strides = array<i32>} : memref<128x128xf32, #tpu.memory_space<vmem>>, vector<16xf32>,
        %mul3A_885 = arith.mulf %get3A_881, %get3A_884 : vector<16xf32>
        %add3A_886 = arith.addf %add3A_878, %mul3A_885 : vector<16xf32>
        %get3A_887 = arith.index_cast %add3A_836 : i32 to index
        %get3A_888 = arith.constant 96 : index
        %get3A_889 = tpu.vector_load %arg8[%get3A_887, %get3A_888] {strides = array<i32>} : memref<128x128xf32, #tpu.memory_space<vmem>>, vector<16xf32>,
        %get3A_890 = arith.index_cast %add3A_836 : i32 to index
        %get3A_891 = arith.constant 96 : index
        %get3A_892 = tpu.vector_load %arg9[%get3A_890, %get3A_891] {strides = array<i32>} : memref<128x128xf32, #tpu.memory_space<vmem>>, vector<16xf32>,
        %mul3A_893 = arith.mulf %get3A_889, %get3A_892 : vector<16xf32>
        %add3A_894 = arith.addf %add3A_886, %mul3A_893 : vector<16xf32>
        %get3A_895 = arith.index_cast %add3A_836 : i32 to index
        %get3A_896 = arith.constant 112 : index
        %get3A_897 = tpu.vector_load %arg8[%get3A_895, %get3A_896] {strides = array<i32>} : memref<128x128xf32, #tpu.memory_space<vmem>>, vector<16xf32>,
        %get3A_898 = arith.index_cast %add3A_836 : i32 to index
        %get3A_899 = arith.constant 112 : index
        %get3A_900 = tpu.vector_load %arg9[%get3A_898, %get3A_899] {strides = array<i32>} : memref<128x128xf32, #tpu.memory_space<vmem>>, vector<16xf32>,
        %mul3A_901 = arith.mulf %get3A_897, %get3A_900 : vector<16xf32>
        %add3A_902 = arith.addf %add3A_894, %mul3A_901 : vector<16xf32>
        %swap3A_903 = arith.constant 176 : index
        %swap3A_904 = tpu.vector_load %arg11[%swap3A_903] {strides = array<i32>} : memref<256xf32, #tpu.memory_space<vmem>>, vector<16xf32>,
        tpu.vector_store %arg11[%swap3A_903], %add3A_902 {strides = array<i32>} : memref<256xf32, #tpu.memory_space<vmem>>, vector<16xf32>,
        %mul3A_905 = arith.constant 16 : i32
        %mul3A_906 = arith.muli %scan3A_42, %mul3A_905 : i32
        %add3A_907 = arith.constant 12 : i32
        %add3A_908 = arith.addi %mul3A_906, %add3A_907 : i32
        %broadcast_in_dim3A_909 = arith.constant 0.000000e+00 : f32
        %broadcast_in_dim3A_910 = vector.broadcast %broadcast_in_dim3A_909 : f32 to vector<16xf32>
        %get3A_911 = arith.index_cast %add3A_908 : i32 to index
        %get3A_912 = arith.constant 0 : index
        %get3A_913 = tpu.vector_load %arg8[%get3A_911, %get3A_912] {strides = array<i32>} : memref<128x128xf32, #tpu.memory_space<vmem>>, vector<16xf32>,
        %get3A_914 = arith.index_cast %add3A_908 : i32 to index
        %get3A_915 = arith.constant 0 : index
        %get3A_916 = tpu.vector_load %arg9[%get3A_914, %get3A_915] {strides = array<i32>} : memref<128x128xf32, #tpu.memory_space<vmem>>, vector<16xf32>,
        %mul3A_917 = arith.mulf %get3A_913, %get3A_916 : vector<16xf32>
        %add3A_918 = arith.addf %broadcast_in_dim3A_910, %mul3A_917 : vector<16xf32>
        %get3A_919 = arith.index_cast %add3A_908 : i32 to index
        %get3A_920 = arith.constant 16 : index
        %get3A_921 = tpu.vector_load %arg8[%get3A_919, %get3A_920] {strides = array<i32>} : memref<128x128xf32, #tpu.memory_space<vmem>>, vector<16xf32>,
        %get3A_922 = arith.index_cast %add3A_908 : i32 to index
        %get3A_923 = arith.constant 16 : index
        %get3A_924 = tpu.vector_load %arg9[%get3A_922, %get3A_923] {strides = array<i32>} : memref<128x128xf32, #tpu.memory_space<vmem>>, vector<16xf32>,
        %mul3A_925 = arith.mulf %get3A_921, %get3A_924 : vector<16xf32>
        %add3A_926 = arith.addf %add3A_918, %mul3A_925 : vector<16xf32>
        %get3A_927 = arith.index_cast %add3A_908 : i32 to index
        %get3A_928 = arith.constant 32 : index
        %get3A_929 = tpu.vector_load %arg8[%get3A_927, %get3A_928] {strides = array<i32>} : memref<128x128xf32, #tpu.memory_space<vmem>>, vector<16xf32>,
        %get3A_930 = arith.index_cast %add3A_908 : i32 to index
        %get3A_931 = arith.constant 32 : index
        %get3A_932 = tpu.vector_load %arg9[%get3A_930, %get3A_931] {strides = array<i32>} : memref<128x128xf32, #tpu.memory_space<vmem>>, vector<16xf32>,
        %mul3A_933 = arith.mulf %get3A_929, %get3A_932 : vector<16xf32>
        %add3A_934 = arith.addf %add3A_926, %mul3A_933 : vector<16xf32>
        %get3A_935 = arith.index_cast %add3A_908 : i32 to index
        %get3A_936 = arith.constant 48 : index
        %get3A_937 = tpu.vector_load %arg8[%get3A_935, %get3A_936] {strides = array<i32>} : memref<128x128xf32, #tpu.memory_space<vmem>>, vector<16xf32>,
        %get3A_938 = arith.index_cast %add3A_908 : i32 to index
        %get3A_939 = arith.constant 48 : index
        %get3A_940 = tpu.vector_load %arg9[%get3A_938, %get3A_939] {strides = array<i32>} : memref<128x128xf32, #tpu.memory_space<vmem>>, vector<16xf32>,
        %mul3A_941 = arith.mulf %get3A_937, %get3A_940 : vector<16xf32>
        %add3A_942 = arith.addf %add3A_934, %mul3A_941 : vector<16xf32>
        %get3A_943 = arith.index_cast %add3A_908 : i32 to index
        %get3A_944 = arith.constant 64 : index
        %get3A_945 = tpu.vector_load %arg8[%get3A_943, %get3A_944] {strides = array<i32>} : memref<128x128xf32, #tpu.memory_space<vmem>>, vector<16xf32>,
        %get3A_946 = arith.index_cast %add3A_908 : i32 to index
        %get3A_947 = arith.constant 64 : index
        %get3A_948 = tpu.vector_load %arg9[%get3A_946, %get3A_947] {strides = array<i32>} : memref<128x128xf32, #tpu.memory_space<vmem>>, vector<16xf32>,
        %mul3A_949 = arith.mulf %get3A_945, %get3A_948 : vector<16xf32>
        %add3A_950 = arith.addf %add3A_942, %mul3A_949 : vector<16xf32>
        %get3A_951 = arith.index_cast %add3A_908 : i32 to index
        %get3A_952 = arith.constant 80 : index
        %get3A_953 = tpu.vector_load %arg8[%get3A_951, %get3A_952] {strides = array<i32>} : memref<128x128xf32, #tpu.memory_space<vmem>>, vector<16xf32>,
        %get3A_954 = arith.index_cast %add3A_908 : i32 to index
        %get3A_955 = arith.constant 80 : index
        %get3A_956 = tpu.vector_load %arg9[%get3A_954, %get3A_955] {strides = array<i32>} : memref<128x128xf32, #tpu.memory_space<vmem>>, vector<16xf32>,
        %mul3A_957 = arith.mulf %get3A_953, %get3A_956 : vector<16xf32>
        %add3A_958 = arith.addf %add3A_950, %mul3A_957 : vector<16xf32>
        %get3A_959 = arith.index_cast %add3A_908 : i32 to index
        %get3A_960 = arith.constant 96 : index
        %get3A_961 = tpu.vector_load %arg8[%get3A_959, %get3A_960] {strides = array<i32>} : memref<128x128xf32, #tpu.memory_space<vmem>>, vector<16xf32>,
        %get3A_962 = arith.index_cast %add3A_908 : i32 to index
        %get3A_963 = arith.constant 96 : index
        %get3A_964 = tpu.vector_load %arg9[%get3A_962, %get3A_963] {strides = array<i32>} : memref<128x128xf32, #tpu.memory_space<vmem>>, vector<16xf32>,
        %mul3A_965 = arith.mulf %get3A_961, %get3A_964 : vector<16xf32>
        %add3A_966 = arith.addf %add3A_958, %mul3A_965 : vector<16xf32>
        %get3A_967 = arith.index_cast %add3A_908 : i32 to index
        %get3A_968 = arith.constant 112 : index
        %get3A_969 = tpu.vector_load %arg8[%get3A_967, %get3A_968] {strides = array<i32>} : memref<128x128xf32, #tpu.memory_space<vmem>>, vector<16xf32>,
        %get3A_970 = arith.index_cast %add3A_908 : i32 to index
        %get3A_971 = arith.constant 112 : index
        %get3A_972 = tpu.vector_load %arg9[%get3A_970, %get3A_971] {strides = array<i32>} : memref<128x128xf32, #tpu.memory_space<vmem>>, vector<16xf32>,
        %mul3A_973 = arith.mulf %get3A_969, %get3A_972 : vector<16xf32>
        %add3A_974 = arith.addf %add3A_966, %mul3A_973 : vector<16xf32>
        %swap3A_975 = arith.constant 192 : index
        %swap3A_976 = tpu.vector_load %arg11[%swap3A_975] {strides = array<i32>} : memref<256xf32, #tpu.memory_space<vmem>>, vector<16xf32>,
        tpu.vector_store %arg11[%swap3A_975], %add3A_974 {strides = array<i32>} : memref<256xf32, #tpu.memory_space<vmem>>, vector<16xf32>,
        %mul3A_977 = arith.constant 16 : i32
        %mul3A_978 = arith.muli %scan3A_42, %mul3A_977 : i32
        %add3A_979 = arith.constant 13 : i32
        %add3A_980 = arith.addi %mul3A_978, %add3A_979 : i32
        %broadcast_in_dim3A_981 = arith.constant 0.000000e+00 : f32
        %broadcast_in_dim3A_982 = vector.broadcast %broadcast_in_dim3A_981 : f32 to vector<16xf32>
        %get3A_983 = arith.index_cast %add3A_980 : i32 to index
        %get3A_984 = arith.constant 0 : index
        %get3A_985 = tpu.vector_load %arg8[%get3A_983, %get3A_984] {strides = array<i32>} : memref<128x128xf32, #tpu.memory_space<vmem>>, vector<16xf32>,
        %get3A_986 = arith.index_cast %add3A_980 : i32 to index
        %get3A_987 = arith.constant 0 : index
        %get3A_988 = tpu.vector_load %arg9[%get3A_986, %get3A_987] {strides = array<i32>} : memref<128x128xf32, #tpu.memory_space<vmem>>, vector<16xf32>,
        %mul3A_989 = arith.mulf %get3A_985, %get3A_988 : vector<16xf32>
        %add3A_990 = arith.addf %broadcast_in_dim3A_982, %mul3A_989 : vector<16xf32>
        %get3A_991 = arith.index_cast %add3A_980 : i32 to index
        %get3A_992 = arith.constant 16 : index
        %get3A_993 = tpu.vector_load %arg8[%get3A_991, %get3A_992] {strides = array<i32>} : memref<128x128xf32, #tpu.memory_space<vmem>>, vector<16xf32>,
        %get3A_994 = arith.index_cast %add3A_980 : i32 to index
        %get3A_995 = arith.constant 16 : index
        %get3A_996 = tpu.vector_load %arg9[%get3A_994, %get3A_995] {strides = array<i32>} : memref<128x128xf32, #tpu.memory_space<vmem>>, vector<16xf32>,
        %mul3A_997 = arith.mulf %get3A_993, %get3A_996 : vector<16xf32>
        %add3A_998 = arith.addf %add3A_990, %mul3A_997 : vector<16xf32>
        %get3A_999 = arith.index_cast %add3A_980 : i32 to index
        %get3A_1000 = arith.constant 32 : index
        %get3A_1001 = tpu.vector_load %arg8[%get3A_999, %get3A_1000] {strides = array<i32>} : memref<128x128xf32, #tpu.memory_space<vmem>>, vector<16xf32>,
        %get3A_1002 = arith.index_cast %add3A_980 : i32 to index
        %get3A_1003 = arith.constant 32 : index
        %get3A_1004 = tpu.vector_load %arg9[%get3A_1002, %get3A_1003] {strides = array<i32>} : memref<128x128xf32, #tpu.memory_space<vmem>>, vector<16xf32>,
        %mul3A_1005 = arith.mulf %get3A_1001, %get3A_1004 : vector<16xf32>
        %add3A_1006 = arith.addf %add3A_998, %mul3A_1005 : vector<16xf32>
        %get3A_1007 = arith.index_cast %add3A_980 : i32 to index
        %get3A_1008 = arith.constant 48 : index
        %get3A_1009 = tpu.vector_load %arg8[%get3A_1007, %get3A_1008] {strides = array<i32>} : memref<128x128xf32, #tpu.memory_space<vmem>>, vector<16xf32>,
        %get3A_1010 = arith.index_cast %add3A_980 : i32 to index
        %get3A_1011 = arith.constant 48 : index
        %get3A_1012 = tpu.vector_load %arg9[%get3A_1010, %get3A_1011] {strides = array<i32>} : memref<128x128xf32, #tpu.memory_space<vmem>>, vector<16xf32>,
        %mul3A_1013 = arith.mulf %get3A_1009, %get3A_1012 : vector<16xf32>
        %add3A_1014 = arith.addf %add3A_1006, %mul3A_1013 : vector<16xf32>
        %get3A_1015 = arith.index_cast %add3A_980 : i32 to index
        %get3A_1016 = arith.constant 64 : index
        %get3A_1017 = tpu.vector_load %arg8[%get3A_1015, %get3A_1016] {strides = array<i32>} : memref<128x128xf32, #tpu.memory_space<vmem>>, vector<16xf32>,
        %get3A_1018 = arith.index_cast %add3A_980 : i32 to index
        %get3A_1019 = arith.constant 64 : index
        %get3A_1020 = tpu.vector_load %arg9[%get3A_1018, %get3A_1019] {strides = array<i32>} : memref<128x128xf32, #tpu.memory_space<vmem>>, vector<16xf32>,
        %mul3A_1021 = arith.mulf %get3A_1017, %get3A_1020 : vector<16xf32>
        %add3A_1022 = arith.addf %add3A_1014, %mul3A_1021 : vector<16xf32>
        %get3A_1023 = arith.index_cast %add3A_980 : i32 to index
        %get3A_1024 = arith.constant 80 : index
        %get3A_1025 = tpu.vector_load %arg8[%get3A_1023, %get3A_1024] {strides = array<i32>} : memref<128x128xf32, #tpu.memory_space<vmem>>, vector<16xf32>,
        %get3A_1026 = arith.index_cast %add3A_980 : i32 to index
        %get3A_1027 = arith.constant 80 : index
        %get3A_1028 = tpu.vector_load %arg9[%get3A_1026, %get3A_1027] {strides = array<i32>} : memref<128x128xf32, #tpu.memory_space<vmem>>, vector<16xf32>,
        %mul3A_1029 = arith.mulf %get3A_1025, %get3A_1028 : vector<16xf32>
        %add3A_1030 = arith.addf %add3A_1022, %mul3A_1029 : vector<16xf32>
        %get3A_1031 = arith.index_cast %add3A_980 : i32 to index
        %get3A_1032 = arith.constant 96 : index
        %get3A_1033 = tpu.vector_load %arg8[%get3A_1031, %get3A_1032] {strides = array<i32>} : memref<128x128xf32, #tpu.memory_space<vmem>>, vector<16xf32>,
        %get3A_1034 = arith.index_cast %add3A_980 : i32 to index
        %get3A_1035 = arith.constant 96 : index
        %get3A_1036 = tpu.vector_load %arg9[%get3A_1034, %get3A_1035] {strides = array<i32>} : memref<128x128xf32, #tpu.memory_space<vmem>>, vector<16xf32>,
        %mul3A_1037 = arith.mulf %get3A_1033, %get3A_1036 : vector<16xf32>
        %add3A_1038 = arith.addf %add3A_1030, %mul3A_1037 : vector<16xf32>
        %get3A_1039 = arith.index_cast %add3A_980 : i32 to index
        %get3A_1040 = arith.constant 112 : index
        %get3A_1041 = tpu.vector_load %arg8[%get3A_1039, %get3A_1040] {strides = array<i32>} : memref<128x128xf32, #tpu.memory_space<vmem>>, vector<16xf32>,
        %get3A_1042 = arith.index_cast %add3A_980 : i32 to index
        %get3A_1043 = arith.constant 112 : index
        %get3A_1044 = tpu.vector_load %arg9[%get3A_1042, %get3A_1043] {strides = array<i32>} : memref<128x128xf32, #tpu.memory_space<vmem>>, vector<16xf32>,
        %mul3A_1045 = arith.mulf %get3A_1041, %get3A_1044 : vector<16xf32>
        %add3A_1046 = arith.addf %add3A_1038, %mul3A_1045 : vector<16xf32>
        %swap3A_1047 = arith.constant 208 : index
        %swap3A_1048 = tpu.vector_load %arg11[%swap3A_1047] {strides = array<i32>} : memref<256xf32, #tpu.memory_space<vmem>>, vector<16xf32>,
        tpu.vector_store %arg11[%swap3A_1047], %add3A_1046 {strides = array<i32>} : memref<256xf32, #tpu.memory_space<vmem>>, vector<16xf32>,
        %mul3A_1049 = arith.constant 16 : i32
        %mul3A_1050 = arith.muli %scan3A_42, %mul3A_1049 : i32
        %add3A_1051 = arith.constant 14 : i32
        %add3A_1052 = arith.addi %mul3A_1050, %add3A_1051 : i32
        %broadcast_in_dim3A_1053 = arith.constant 0.000000e+00 : f32
        %broadcast_in_dim3A_1054 = vector.broadcast %broadcast_in_dim3A_1053 : f32 to vector<16xf32>
        %get3A_1055 = arith.index_cast %add3A_1052 : i32 to index
        %get3A_1056 = arith.constant 0 : index
        %get3A_1057 = tpu.vector_load %arg8[%get3A_1055, %get3A_1056] {strides = array<i32>} : memref<128x128xf32, #tpu.memory_space<vmem>>, vector<16xf32>,
        %get3A_1058 = arith.index_cast %add3A_1052 : i32 to index
        %get3A_1059 = arith.constant 0 : index
        %get3A_1060 = tpu.vector_load %arg9[%get3A_1058, %get3A_1059] {strides = array<i32>} : memref<128x128xf32, #tpu.memory_space<vmem>>, vector<16xf32>,
        %mul3A_1061 = arith.mulf %get3A_1057, %get3A_1060 : vector<16xf32>
        %add3A_1062 = arith.addf %broadcast_in_dim3A_1054, %mul3A_1061 : vector<16xf32>
        %get3A_1063 = arith.index_cast %add3A_1052 : i32 to index
        %get3A_1064 = arith.constant 16 : index
        %get3A_1065 = tpu.vector_load %arg8[%get3A_1063, %get3A_1064] {strides = array<i32>} : memref<128x128xf32, #tpu.memory_space<vmem>>, vector<16xf32>,
        %get3A_1066 = arith.index_cast %add3A_1052 : i32 to index
        %get3A_1067 = arith.constant 16 : index
        %get3A_1068 = tpu.vector_load %arg9[%get3A_1066, %get3A_1067] {strides = array<i32>} : memref<128x128xf32, #tpu.memory_space<vmem>>, vector<16xf32>,
        %mul3A_1069 = arith.mulf %get3A_1065, %get3A_1068 : vector<16xf32>
        %add3A_1070 = arith.addf %add3A_1062, %mul3A_1069 : vector<16xf32>
        %get3A_1071 = arith.index_cast %add3A_1052 : i32 to index
        %get3A_1072 = arith.constant 32 : index
        %get3A_1073 = tpu.vector_load %arg8[%get3A_1071, %get3A_1072] {strides = array<i32>} : memref<128x128xf32, #tpu.memory_space<vmem>>, vector<16xf32>,
        %get3A_1074 = arith.index_cast %add3A_1052 : i32 to index
        %get3A_1075 = arith.constant 32 : index
        %get3A_1076 = tpu.vector_load %arg9[%get3A_1074, %get3A_1075] {strides = array<i32>} : memref<128x128xf32, #tpu.memory_space<vmem>>, vector<16xf32>,
        %mul3A_1077 = arith.mulf %get3A_1073, %get3A_1076 : vector<16xf32>
        %add3A_1078 = arith.addf %add3A_1070, %mul3A_1077 : vector<16xf32>
        %get3A_1079 = arith.index_cast %add3A_1052 : i32 to index
        %get3A_1080 = arith.constant 48 : index
        %get3A_1081 = tpu.vector_load %arg8[%get3A_1079, %get3A_1080] {strides = array<i32>} : memref<128x128xf32, #tpu.memory_space<vmem>>, vector<16xf32>,
        %get3A_1082 = arith.index_cast %add3A_1052 : i32 to index
        %get3A_1083 = arith.constant 48 : index
        %get3A_1084 = tpu.vector_load %arg9[%get3A_1082, %get3A_1083] {strides = array<i32>} : memref<128x128xf32, #tpu.memory_space<vmem>>, vector<16xf32>,
        %mul3A_1085 = arith.mulf %get3A_1081, %get3A_1084 : vector<16xf32>
        %add3A_1086 = arith.addf %add3A_1078, %mul3A_1085 : vector<16xf32>
        %get3A_1087 = arith.index_cast %add3A_1052 : i32 to index
        %get3A_1088 = arith.constant 64 : index
        %get3A_1089 = tpu.vector_load %arg8[%get3A_1087, %get3A_1088] {strides = array<i32>} : memref<128x128xf32, #tpu.memory_space<vmem>>, vector<16xf32>,
        %get3A_1090 = arith.index_cast %add3A_1052 : i32 to index
        %get3A_1091 = arith.constant 64 : index
        %get3A_1092 = tpu.vector_load %arg9[%get3A_1090, %get3A_1091] {strides = array<i32>} : memref<128x128xf32, #tpu.memory_space<vmem>>, vector<16xf32>,
        %mul3A_1093 = arith.mulf %get3A_1089, %get3A_1092 : vector<16xf32>
        %add3A_1094 = arith.addf %add3A_1086, %mul3A_1093 : vector<16xf32>
        %get3A_1095 = arith.index_cast %add3A_1052 : i32 to index
        %get3A_1096 = arith.constant 80 : index
        %get3A_1097 = tpu.vector_load %arg8[%get3A_1095, %get3A_1096] {strides = array<i32>} : memref<128x128xf32, #tpu.memory_space<vmem>>, vector<16xf32>,
        %get3A_1098 = arith.index_cast %add3A_1052 : i32 to index
        %get3A_1099 = arith.constant 80 : index
        %get3A_1100 = tpu.vector_load %arg9[%get3A_1098, %get3A_1099] {strides = array<i32>} : memref<128x128xf32, #tpu.memory_space<vmem>>, vector<16xf32>,
        %mul3A_1101 = arith.mulf %get3A_1097, %get3A_1100 : vector<16xf32>
        %add3A_1102 = arith.addf %add3A_1094, %mul3A_1101 : vector<16xf32>
        %get3A_1103 = arith.index_cast %add3A_1052 : i32 to index
        %get3A_1104 = arith.constant 96 : index
        %get3A_1105 = tpu.vector_load %arg8[%get3A_1103, %get3A_1104] {strides = array<i32>} : memref<128x128xf32, #tpu.memory_space<vmem>>, vector<16xf32>,
        %get3A_1106 = arith.index_cast %add3A_1052 : i32 to index
        %get3A_1107 = arith.constant 96 : index
        %get3A_1108 = tpu.vector_load %arg9[%get3A_1106, %get3A_1107] {strides = array<i32>} : memref<128x128xf32, #tpu.memory_space<vmem>>, vector<16xf32>,
        %mul3A_1109 = arith.mulf %get3A_1105, %get3A_1108 : vector<16xf32>
        %add3A_1110 = arith.addf %add3A_1102, %mul3A_1109 : vector<16xf32>
        %get3A_1111 = arith.index_cast %add3A_1052 : i32 to index
        %get3A_1112 = arith.constant 112 : index
        %get3A_1113 = tpu.vector_load %arg8[%get3A_1111, %get3A_1112] {strides = array<i32>} : memref<128x128xf32, #tpu.memory_space<vmem>>, vector<16xf32>,
        %get3A_1114 = arith.index_cast %add3A_1052 : i32 to index
        %get3A_1115 = arith.constant 112 : index
        %get3A_1116 = tpu.vector_load %arg9[%get3A_1114, %get3A_1115] {strides = array<i32>} : memref<128x128xf32, #tpu.memory_space<vmem>>, vector<16xf32>,
        %mul3A_1117 = arith.mulf %get3A_1113, %get3A_1116 : vector<16xf32>
        %add3A_1118 = arith.addf %add3A_1110, %mul3A_1117 : vector<16xf32>
        %swap3A_1119 = arith.constant 224 : index
        %swap3A_1120 = tpu.vector_load %arg11[%swap3A_1119] {strides = array<i32>} : memref<256xf32, #tpu.memory_space<vmem>>, vector<16xf32>,
        tpu.vector_store %arg11[%swap3A_1119], %add3A_1118 {strides = array<i32>} : memref<256xf32, #tpu.memory_space<vmem>>, vector<16xf32>,
        %mul3A_1121 = arith.constant 16 : i32
        %mul3A_1122 = arith.muli %scan3A_42, %mul3A_1121 : i32
        %add3A_1123 = arith.constant 15 : i32
        %add3A_1124 = arith.addi %mul3A_1122, %add3A_1123 : i32
        %broadcast_in_dim3A_1125 = arith.constant 0.000000e+00 : f32
        %broadcast_in_dim3A_1126 = vector.broadcast %broadcast_in_dim3A_1125 : f32 to vector<16xf32>
        %get3A_1127 = arith.index_cast %add3A_1124 : i32 to index
        %get3A_1128 = arith.constant 0 : index
        %get3A_1129 = tpu.vector_load %arg8[%get3A_1127, %get3A_1128] {strides = array<i32>} : memref<128x128xf32, #tpu.memory_space<vmem>>, vector<16xf32>,
        %get3A_1130 = arith.index_cast %add3A_1124 : i32 to index
        %get3A_1131 = arith.constant 0 : index
        %get3A_1132 = tpu.vector_load %arg9[%get3A_1130, %get3A_1131] {strides = array<i32>} : memref<128x128xf32, #tpu.memory_space<vmem>>, vector<16xf32>,
        %mul3A_1133 = arith.mulf %get3A_1129, %get3A_1132 : vector<16xf32>
        %add3A_1134 = arith.addf %broadcast_in_dim3A_1126, %mul3A_1133 : vector<16xf32>
        %get3A_1135 = arith.index_cast %add3A_1124 : i32 to index
        %get3A_1136 = arith.constant 16 : index
        %get3A_1137 = tpu.vector_load %arg8[%get3A_1135, %get3A_1136] {strides = array<i32>} : memref<128x128xf32, #tpu.memory_space<vmem>>, vector<16xf32>,
        %get3A_1138 = arith.index_cast %add3A_1124 : i32 to index
        %get3A_1139 = arith.constant 16 : index
        %get3A_1140 = tpu.vector_load %arg9[%get3A_1138, %get3A_1139] {strides = array<i32>} : memref<128x128xf32, #tpu.memory_space<vmem>>, vector<16xf32>,
        %mul3A_1141 = arith.mulf %get3A_1137, %get3A_1140 : vector<16xf32>
        %add3A_1142 = arith.addf %add3A_1134, %mul3A_1141 : vector<16xf32>
        %get3A_1143 = arith.index_cast %add3A_1124 : i32 to index
        %get3A_1144 = arith.constant 32 : index
        %get3A_1145 = tpu.vector_load %arg8[%get3A_1143, %get3A_1144] {strides = array<i32>} : memref<128x128xf32, #tpu.memory_space<vmem>>, vector<16xf32>,
        %get3A_1146 = arith.index_cast %add3A_1124 : i32 to index
        %get3A_1147 = arith.constant 32 : index
        %get3A_1148 = tpu.vector_load %arg9[%get3A_1146, %get3A_1147] {strides = array<i32>} : memref<128x128xf32, #tpu.memory_space<vmem>>, vector<16xf32>,
        %mul3A_1149 = arith.mulf %get3A_1145, %get3A_1148 : vector<16xf32>
        %add3A_1150 = arith.addf %add3A_1142, %mul3A_1149 : vector<16xf32>
        %get3A_1151 = arith.index_cast %add3A_1124 : i32 to index
        %get3A_1152 = arith.constant 48 : index
        %get3A_1153 = tpu.vector_load %arg8[%get3A_1151, %get3A_1152] {strides = array<i32>} : memref<128x128xf32, #tpu.memory_space<vmem>>, vector<16xf32>,
        %get3A_1154 = arith.index_cast %add3A_1124 : i32 to index
        %get3A_1155 = arith.constant 48 : index
        %get3A_1156 = tpu.vector_load %arg9[%get3A_1154, %get3A_1155] {strides = array<i32>} : memref<128x128xf32, #tpu.memory_space<vmem>>, vector<16xf32>,
        %mul3A_1157 = arith.mulf %get3A_1153, %get3A_1156 : vector<16xf32>
        %add3A_1158 = arith.addf %add3A_1150, %mul3A_1157 : vector<16xf32>
        %get3A_1159 = arith.index_cast %add3A_1124 : i32 to index
        %get3A_1160 = arith.constant 64 : index
        %get3A_1161 = tpu.vector_load %arg8[%get3A_1159, %get3A_1160] {strides = array<i32>} : memref<128x128xf32, #tpu.memory_space<vmem>>, vector<16xf32>,
        %get3A_1162 = arith.index_cast %add3A_1124 : i32 to index
        %get3A_1163 = arith.constant 64 : index
        %get3A_1164 = tpu.vector_load %arg9[%get3A_1162, %get3A_1163] {strides = array<i32>} : memref<128x128xf32, #tpu.memory_space<vmem>>, vector<16xf32>,
        %mul3A_1165 = arith.mulf %get3A_1161, %get3A_1164 : vector<16xf32>
        %add3A_1166 = arith.addf %add3A_1158, %mul3A_1165 : vector<16xf32>
        %get3A_1167 = arith.index_cast %add3A_1124 : i32 to index
        %get3A_1168 = arith.constant 80 : index
        %get3A_1169 = tpu.vector_load %arg8[%get3A_1167, %get3A_1168] {strides = array<i32>} : memref<128x128xf32, #tpu.memory_space<vmem>>, vector<16xf32>,
        %get3A_1170 = arith.index_cast %add3A_1124 : i32 to index
        %get3A_1171 = arith.constant 80 : index
        %get3A_1172 = tpu.vector_load %arg9[%get3A_1170, %get3A_1171] {strides = array<i32>} : memref<128x128xf32, #tpu.memory_space<vmem>>, vector<16xf32>,
        %mul3A_1173 = arith.mulf %get3A_1169, %get3A_1172 : vector<16xf32>
        %add3A_1174 = arith.addf %add3A_1166, %mul3A_1173 : vector<16xf32>
        %get3A_1175 = arith.index_cast %add3A_1124 : i32 to index
        %get3A_1176 = arith.constant 96 : index
        %get3A_1177 = tpu.vector_load %arg8[%get3A_1175, %get3A_1176] {strides = array<i32>} : memref<128x128xf32, #tpu.memory_space<vmem>>, vector<16xf32>,
        %get3A_1178 = arith.index_cast %add3A_1124 : i32 to index
        %get3A_1179 = arith.constant 96 : index
        %get3A_1180 = tpu.vector_load %arg9[%get3A_1178, %get3A_1179] {strides = array<i32>} : memref<128x128xf32, #tpu.memory_space<vmem>>, vector<16xf32>,
        %mul3A_1181 = arith.mulf %get3A_1177, %get3A_1180 : vector<16xf32>
        %add3A_1182 = arith.addf %add3A_1174, %mul3A_1181 : vector<16xf32>
        %get3A_1183 = arith.index_cast %add3A_1124 : i32 to index
        %get3A_1184 = arith.constant 112 : index
        %get3A_1185 = tpu.vector_load %arg8[%get3A_1183, %get3A_1184] {strides = array<i32>} : memref<128x128xf32, #tpu.memory_space<vmem>>, vector<16xf32>,
        %get3A_1186 = arith.index_cast %add3A_1124 : i32 to index
        %get3A_1187 = arith.constant 112 : index
        %get3A_1188 = tpu.vector_load %arg9[%get3A_1186, %get3A_1187] {strides = array<i32>} : memref<128x128xf32, #tpu.memory_space<vmem>>, vector<16xf32>,
        %mul3A_1189 = arith.mulf %get3A_1185, %get3A_1188 : vector<16xf32>
        %add3A_1190 = arith.addf %add3A_1182, %mul3A_1189 : vector<16xf32>
        %swap3A_1191 = arith.constant 240 : index
        %swap3A_1192 = tpu.vector_load %arg11[%swap3A_1191] {strides = array<i32>} : memref<256xf32, #tpu.memory_space<vmem>>, vector<16xf32>,
        tpu.vector_store %arg11[%swap3A_1191], %add3A_1190 {strides = array<i32>} : memref<256xf32, #tpu.memory_space<vmem>>, vector<16xf32>,
        %broadcast_in_dim3A_1193 = arith.constant 0.000000e+00 : f32
        %broadcast_in_dim3A_1194 = vector.broadcast %broadcast_in_dim3A_1193 : f32 to vector<16xf32>
        %add3A_1195 = arith.constant 0 : i32
        %add3A_1196 = vector.broadcast %add3A_1195 : i32 to vector<16xi32>
        %add3A_1197 = arith.addi %mul3A_33, %add3A_1196 : vector<16xi32>
        %gather3A = tpu.vector_load_idx %arg11[%add3A_1197] : memref<256xf32, #tpu.memory_space<vmem>>[vector<16xi32>], vector<16xf32>,
        %add3A_1198 = arith.addf %broadcast_in_dim3A_1194, %gather3A : vector<16xf32>
        %add3A_1199 = arith.constant 1 : i32
        %add3A_1200 = vector.broadcast %add3A_1199 : i32 to vector<16xi32>
        %add3A_1201 = arith.addi %mul3A_33, %add3A_1200 : vector<16xi32>
        %gather3A_1202 = tpu.vector_load_idx %arg11[%add3A_1201] : memref<256xf32, #tpu.memory_space<vmem>>[vector<16xi32>], vector<16xf32>,
        %add3A_1203 = arith.addf %add3A_1198, %gather3A_1202 : vector<16xf32>
        %add3A_1204 = arith.constant 2 : i32
        %add3A_1205 = vector.broadcast %add3A_1204 : i32 to vector<16xi32>
        %add3A_1206 = arith.addi %mul3A_33, %add3A_1205 : vector<16xi32>
        %gather3A_1207 = tpu.vector_load_idx %arg11[%add3A_1206] : memref<256xf32, #tpu.memory_space<vmem>>[vector<16xi32>], vector<16xf32>,
        %add3A_1208 = arith.addf %add3A_1203, %gather3A_1207 : vector<16xf32>
        %add3A_1209 = arith.constant 3 : i32
        %add3A_1210 = vector.broadcast %add3A_1209 : i32 to vector<16xi32>
        %add3A_1211 = arith.addi %mul3A_33, %add3A_1210 : vector<16xi32>
        %gather3A_1212 = tpu.vector_load_idx %arg11[%add3A_1211] : memref<256xf32, #tpu.memory_space<vmem>>[vector<16xi32>], vector<16xf32>,
        %add3A_1213 = arith.addf %add3A_1208, %gather3A_1212 : vector<16xf32>
        %add3A_1214 = arith.constant 4 : i32
        %add3A_1215 = vector.broadcast %add3A_1214 : i32 to vector<16xi32>
        %add3A_1216 = arith.addi %mul3A_33, %add3A_1215 : vector<16xi32>
        %gather3A_1217 = tpu.vector_load_idx %arg11[%add3A_1216] : memref<256xf32, #tpu.memory_space<vmem>>[vector<16xi32>], vector<16xf32>,
        %add3A_1218 = arith.addf %add3A_1213, %gather3A_1217 : vector<16xf32>
        %add3A_1219 = arith.constant 5 : i32
        %add3A_1220 = vector.broadcast %add3A_1219 : i32 to vector<16xi32>
        %add3A_1221 = arith.addi %mul3A_33, %add3A_1220 : vector<16xi32>
        %gather3A_1222 = tpu.vector_load_idx %arg11[%add3A_1221] : memref<256xf32, #tpu.memory_space<vmem>>[vector<16xi32>], vector<16xf32>,
        %add3A_1223 = arith.addf %add3A_1218, %gather3A_1222 : vector<16xf32>
        %add3A_1224 = arith.constant 6 : i32
        %add3A_1225 = vector.broadcast %add3A_1224 : i32 to vector<16xi32>
        %add3A_1226 = arith.addi %mul3A_33, %add3A_1225 : vector<16xi32>
        %gather3A_1227 = tpu.vector_load_idx %arg11[%add3A_1226] : memref<256xf32, #tpu.memory_space<vmem>>[vector<16xi32>], vector<16xf32>,
        %add3A_1228 = arith.addf %add3A_1223, %gather3A_1227 : vector<16xf32>
        %add3A_1229 = arith.constant 7 : i32
        %add3A_1230 = vector.broadcast %add3A_1229 : i32 to vector<16xi32>
        %add3A_1231 = arith.addi %mul3A_33, %add3A_1230 : vector<16xi32>
        %gather3A_1232 = tpu.vector_load_idx %arg11[%add3A_1231] : memref<256xf32, #tpu.memory_space<vmem>>[vector<16xi32>], vector<16xf32>,
        %add3A_1233 = arith.addf %add3A_1228, %gather3A_1232 : vector<16xf32>
        %add3A_1234 = arith.constant 8 : i32
        %add3A_1235 = vector.broadcast %add3A_1234 : i32 to vector<16xi32>
        %add3A_1236 = arith.addi %mul3A_33, %add3A_1235 : vector<16xi32>
        %gather3A_1237 = tpu.vector_load_idx %arg11[%add3A_1236] : memref<256xf32, #tpu.memory_space<vmem>>[vector<16xi32>], vector<16xf32>,
        %add3A_1238 = arith.addf %add3A_1233, %gather3A_1237 : vector<16xf32>
        %add3A_1239 = arith.constant 9 : i32
        %add3A_1240 = vector.broadcast %add3A_1239 : i32 to vector<16xi32>
        %add3A_1241 = arith.addi %mul3A_33, %add3A_1240 : vector<16xi32>
        %gather3A_1242 = tpu.vector_load_idx %arg11[%add3A_1241] : memref<256xf32, #tpu.memory_space<vmem>>[vector<16xi32>], vector<16xf32>,
        %add3A_1243 = arith.addf %add3A_1238, %gather3A_1242 : vector<16xf32>
        %add3A_1244 = arith.constant 10 : i32
        %add3A_1245 = vector.broadcast %add3A_1244 : i32 to vector<16xi32>
        %add3A_1246 = arith.addi %mul3A_33, %add3A_1245 : vector<16xi32>
        %gather3A_1247 = tpu.vector_load_idx %arg11[%add3A_1246] : memref<256xf32, #tpu.memory_space<vmem>>[vector<16xi32>], vector<16xf32>,
        %add3A_1248 = arith.addf %add3A_1243, %gather3A_1247 : vector<16xf32>
        %add3A_1249 = arith.constant 11 : i32
        %add3A_1250 = vector.broadcast %add3A_1249 : i32 to vector<16xi32>
        %add3A_1251 = arith.addi %mul3A_33, %add3A_1250 : vector<16xi32>
        %gather3A_1252 = tpu.vector_load_idx %arg11[%add3A_1251] : memref<256xf32, #tpu.memory_space<vmem>>[vector<16xi32>], vector<16xf32>,
        %add3A_1253 = arith.addf %add3A_1248, %gather3A_1252 : vector<16xf32>
        %add3A_1254 = arith.constant 12 : i32
        %add3A_1255 = vector.broadcast %add3A_1254 : i32 to vector<16xi32>
        %add3A_1256 = arith.addi %mul3A_33, %add3A_1255 : vector<16xi32>
        %gather3A_1257 = tpu.vector_load_idx %arg11[%add3A_1256] : memref<256xf32, #tpu.memory_space<vmem>>[vector<16xi32>], vector<16xf32>,
        %add3A_1258 = arith.addf %add3A_1253, %gather3A_1257 : vector<16xf32>
        %add3A_1259 = arith.constant 13 : i32
        %add3A_1260 = vector.broadcast %add3A_1259 : i32 to vector<16xi32>
        %add3A_1261 = arith.addi %mul3A_33, %add3A_1260 : vector<16xi32>
        %gather3A_1262 = tpu.vector_load_idx %arg11[%add3A_1261] : memref<256xf32, #tpu.memory_space<vmem>>[vector<16xi32>], vector<16xf32>,
        %add3A_1263 = arith.addf %add3A_1258, %gather3A_1262 : vector<16xf32>
        %add3A_1264 = arith.constant 14 : i32
        %add3A_1265 = vector.broadcast %add3A_1264 : i32 to vector<16xi32>
        %add3A_1266 = arith.addi %mul3A_33, %add3A_1265 : vector<16xi32>
        %gather3A_1267 = tpu.vector_load_idx %arg11[%add3A_1266] : memref<256xf32, #tpu.memory_space<vmem>>[vector<16xi32>], vector<16xf32>,
        %add3A_1268 = arith.addf %add3A_1263, %gather3A_1267 : vector<16xf32>
        %add3A_1269 = arith.constant 15 : i32
        %add3A_1270 = vector.broadcast %add3A_1269 : i32 to vector<16xi32>
        %add3A_1271 = arith.addi %mul3A_33, %add3A_1270 : vector<16xi32>
        %gather3A_1272 = tpu.vector_load_idx %arg11[%add3A_1271] : memref<256xf32, #tpu.memory_space<vmem>>[vector<16xi32>], vector<16xf32>,
        %add3A_1273 = arith.addf %add3A_1268, %gather3A_1272 : vector<16xf32>
        %mul3A_1274 = arith.constant 16 : i32
        %mul3A_1275 = arith.muli %scan3A_42, %mul3A_1274 : i32
        %swap3A_1276 = arith.index_cast %scan3A_7 : i32 to index
        %swap3A_1277 = arith.index_cast %mul3A_1275 : i32 to index
        %swap3A_1278 = tpu.vector_load %arg10[%swap3A_1276, %swap3A_1277] {strides = array<i32>} : memref<79x128xf32, #tpu.memory_space<vmem>>, vector<16xf32>,
        tpu.vector_store %arg10[%swap3A_1276, %swap3A_1277], %add3A_1273 {strides = array<i32>} : memref<79x128xf32, #tpu.memory_space<vmem>>, vector<16xf32>,
        %scan3A_1279 = arith.constant 0 : i32
        scf.yield %scan3A_1279 : i32
      }
      %scan3A_40 = arith.constant 8 : i32
      %scan3A_41 = arith.constant 0 : i32
      scf.yield %scan3A_41 : i32
    }
    %scan3A_6 = arith.constant 79 : i32
    "tpu.region"() ({
      %run_scoped3A = tpu.sem_alloc : memref<!tpu.dma_semaphore, #tpu.memory_space<semaphore_mem>>
      %dma_start3A = arith.constant 0 : i32
      %dma_start3A_7 = arith.constant 0 : i32
      %dma_start3A_8 = tpu.memref_slice %arg5[%add3A, %dma_start3A, %dma_start3A_7] : memref<32x79x128xf32, #tpu.memory_space<hbm>> -> memref<1x79x128xf32, #tpu.memory_space<hbm>>
      %dma_start3A_9 = tpu.memref_squeeze %dma_start3A_8 : memref<1x79x128xf32, #tpu.memory_space<hbm>> -> memref<79x128xf32, #tpu.memory_space<hbm>>
      %dma_start3A_10 = arith.constant 0 : i32
      %dma_start3A_11 = arith.constant 0 : i32
      %dma_start3A_12 = tpu.memref_slice %arg5[%add3A, %dma_start3A_10, %dma_start3A_11] : memref<32x79x128xf32, #tpu.memory_space<hbm>> -> memref<1x79x128xf32, #tpu.memory_space<hbm>>
      %dma_start3A_13 = tpu.memref_squeeze %dma_start3A_12 : memref<1x79x128xf32, #tpu.memory_space<hbm>> -> memref<79x128xf32, #tpu.memory_space<hbm>>
      tpu.enqueue_dma source(%arg10 : memref<79x128xf32, #tpu.memory_space<vmem>>) target(%dma_start3A_13 : memref<79x128xf32, #tpu.memory_space<hbm>>) target_semaphore(%run_scoped3A : memref<!tpu.dma_semaphore, #tpu.memory_space<semaphore_mem>>)
      %dma_wait3A = arith.constant 0 : i32
      %dma_wait3A_14 = arith.constant 0 : i32
      %dma_wait3A_15 = tpu.memref_slice %arg5[%add3A, %dma_wait3A, %dma_wait3A_14] : memref<32x79x128xf32, #tpu.memory_space<hbm>> -> memref<1x79x128xf32, #tpu.memory_space<hbm>>
      %dma_wait3A_16 = tpu.memref_squeeze %dma_wait3A_15 : memref<1x79x128xf32, #tpu.memory_space<hbm>> -> memref<79x128xf32, #tpu.memory_space<hbm>>
      %dma_wait3A_17 = arith.constant 0 : i32
      %dma_wait3A_18 = arith.constant 0 : i32
      %dma_wait3A_19 = tpu.memref_slice %arg5[%add3A, %dma_wait3A_17, %dma_wait3A_18] : memref<32x79x128xf32, #tpu.memory_space<hbm>> -> memref<1x79x128xf32, #tpu.memory_space<hbm>>
      %dma_wait3A_20 = tpu.memref_squeeze %dma_wait3A_19 : memref<1x79x128xf32, #tpu.memory_space<hbm>> -> memref<79x128xf32, #tpu.memory_space<hbm>>
      tpu.wait_dma2 semaphore(%run_scoped3A : memref<!tpu.dma_semaphore, #tpu.memory_space<semaphore_mem>>) src(%arg10 : memref<79x128xf32, #tpu.memory_space<vmem>>) dst(%dma_wait3A_20 : memref<79x128xf32, #tpu.memory_space<hbm>>)
      tpu.yield
    }) : () -> ()
    return
  }
}

</mosaic_0001>

<sc_bundles>
// kernel: kernel.3.cloned.1.call-start
scs
__scs_entry_jumppad:
0x0: {  	(pc) =	sbr.rel $0x88, $3  }
0x1: {  	(tag) =	ssettag $0x0;
	lr =	simm.s32 $0x1  }
0x2: {  	[smem:$0x3F9E] =	sst lr;
	_ =	strace $0xD0000000  }
0x3: {  	_ = 	snop  }
0x4: {  	_ = 	snop  }
0x5: {  	_ = 	snop  }
0x6: {  	_ = 	snop  }
0x7: {  	_ = 	snop  }
__scs_overlays_trampoline_lowered:
0x8: {  	[smem:$0x3FAD] =	sst s0  }
0x9: {  	[smem:$0x3FAE] =	sst s1  }
0xa: {  	[smem:$0x3FAF] =	sst s2  }
0xb: {  	[smem:$0x3FB0] =	sst s3  }
0xc: {  	[smem:$0x3FB1] =	sst s4  }
0xd: {  	[smem:$0x3FB2] =	sst s5  }
0xe: {  	[smem:$0x3FB3] =	sst s6  }
0xf: {  	[smem:$0x3FB4] =	sst s7  }
0x10: {  	[smem:$0x3FB5] =	sst s8  }
0x11: {  	[smem:$0x3FB6] =	sst s9;
	s0 =	simm.s32 @!p0 $0x0  }
0x12: {  	s1 =	sld [smem:$0x3F9C];
	s0 =	simm.s32 @p0 $0x1  }
0x13: {  	[smem:$0x3FB7] =	sst s0;
	s0 =	simm.s32 @!p1 $0x0  }
0x14: {  	s2 =	sld [smem:$0x3F9B];
	s0 =	simm.s32 @p1 $0x1  }
0x15: {  	[smem:$0x3FB8] =	sst s0;
	s0 =	simm.s32 @!p2 $0x0  }
0x16: {  	s3 =	sld [smem:$0x3FDB];
	s0 =	simm.s32 @p2 $0x1  }
0x17: {  	s4 =	simm.s32 $0x1BF5;
	[smem:$0x3FBA] =	sst s0  }
0x18: {  	s0 =	sld [smem:$0x3F9D];
	_ =	swait.ge [sflag:s4], $0x0  }
0x19: {  	s7 =	sld [smem:$0x3F9E]  }
0x1a: {  	s8 =	sadd.s32 $0xFFFFE003, lr  }
0x1b: {  	s9 =	sadd.s32 $0xFFFFFEF7, lr;
	s5 =	simm.s32 $0xFFFFFFFF;
	p2 =	slt.u32 s8, $0xFFFFF086  }
0x1c: {  	p1 =	slt.u32 s9, $0xF7A;
	s5 =	simm.s32 @!p2 $0x0  }
0x1d: {  	s5 =	simm.s32 @p1 $0x1;
	p0 =	seq.s32 s7, s2  }
0x1e: {  	s7 =	smul.u32 @!p0 $0xF7A, s2;
	p2 =	seq.s32 @!p0 s5, $0x0  }
0x1f: {  	s9 =	smul.u32 $0xF7A, s1;
	s8 =	simm.s32 @!p0 $0x1BF5;
	p2 =	por !p2, p0  }
0x20: {  	[sflag:s8] =	ssyncset.s32 @!p0 $0xFFFFF086;
	s6 =	sadd.s32 @!p0 s3, s7;
	s7 =	simm.s32 @!p0 $0x108  }
0x21: {  	s3 =	sadd.s32 s3, s9;
	s6 =	sadd.s32 @!p0 $0x88, s6;
	s7 =	simm.s32 @p2 $0x1082  }
0x22: {  	[simem:s7], [sflag:s8] =	dma.local @!p0 [hbm:s6], $0xF7A  }
0x23: {  	s9 =	sor.u32 $0xD0000000, s2;
	s6 =	simm.s32 $0x108;
	_ =	swait.ge @!p0 [sflag:s8], $0x0  }
0x24: {  	s3 =	sadd.s32 $0x88, s3;
	s6 =	simm.s32 @!p1 $0x1082;
	[sflag:s4] =	ssyncset.s32 $0xFFFFF086  }
0x25: {  	[simem:s6], [sflag:s4] =	dma.local [hbm:s3], $0xF7A  }
0x26: {  	[smem:$0x3F9E] =	sst s1;
	(tag) =	ssettag s2;
	_ =	strace s9  }
0x27: {  	s1 =	sld [smem:$0x3FAE]  }
0x28: {  	s2 =	sld [smem:$0x3FAF]  }
0x29: {  	s4 =	sld [smem:$0x3FB1]  }
0x2a: {  	p0 =	seq.s32 s5, $0x0;
	s5 =	sld [smem:$0x3FB2]  }
0x2b: {  	s6 =	sld [smem:$0x3FB3]  }
0x2c: {  	s7 =	sld [smem:$0x3FB4]  }
0x2d: {  	s3 =	simm.s32 $0x108;
	s8 =	sld [smem:$0x3FB5]  }
0x2e: {  	s3 =	simm.s32 @!p0 $0x1082;
	s9 =	sld [smem:$0x3FB6]  }
0x2f: {  	lr =	sadd.s32 s0, s3;
	s0 =	sld [smem:$0x3FAD]  }
0x30: {  	s3 =	sld [smem:$0x3FB0]  }
0x31: {  	[smem:$0x3FB9] =	sst s10  }
0x32: {  	s10 =	sld [smem:$0x3FB7];
	_ =	sdelay $0x3  }
0x33: {  	p0 =	seq.s32 s10, $0x1;
	s10 =	sld [smem:$0x3FB9];
	_ =	sdelay $0x3  }
0x34: {  	[smem:$0x3FB9] =	sst s10  }
0x35: {  	s10 =	sld [smem:$0x3FB8];
	_ =	sdelay $0x3  }
0x36: {  	p1 =	seq.s32 s10, $0x1;
	s10 =	sld [smem:$0x3FB9];
	_ =	sdelay $0x3  }
0x37: {  	[smem:$0x3FB9] =	sst s10  }
0x38: {  	s10 =	sld [smem:$0x3FBA]  }
0x39: {  	_ = 	snop;
	(pc) =	sbr.ind lr, $3  }
0x3a: {  	_ = 	snop  }
0x3b: {  	_ = 	snop  }
0x3c: {  	p2 =	seq.s32 s10, $0x1;
	s10 =	sld [smem:$0x3FB9]  }
0x3d: {  	_ =	shalt  }
0x3e: {  	_ =	shalt  }
0x3f: {  	_ =	shalt  }
0x40: {  	_ =	shalt  }
0x41: {  	_ =	shalt  }
0x42: {  	_ =	shalt  }
0x43: {  	_ =	shalt  }
0x44: {  	_ =	shalt  }
0x45: {  	_ =	shalt  }
0x46: {  	_ =	shalt  }
0x47: {  	_ =	shalt  }
0x48: {  	_ =	shalt  }
0x49: {  	_ =	shalt  }
0x4a: {  	_ =	shalt  }
0x4b: {  	_ =	shalt  }
0x4c: {  	_ =	shalt  }
0x4d: {  	_ =	shalt  }
0x4e: {  	_ =	shalt  }
0x4f: {  	_ =	shalt  }
0x50: {  	_ =	shalt  }
0x51: {  	_ =	shalt  }
0x52: {  	_ =	shalt  }
0x53: {  	_ =	shalt  }
0x54: {  	_ =	shalt  }
0x55: {  	_ =	shalt  }
0x56: {  	_ =	shalt  }
0x57: {  	_ =	shalt  }
0x58: {  	_ =	shalt  }
0x59: {  	_ =	shalt  }
0x5a: {  	_ =	shalt  }
0x5b: {  	_ =	shalt  }
0x5c: {  	_ =	shalt  }
0x5d: {  	_ =	shalt  }
0x5e: {  	_ =	shalt  }
0x5f: {  	_ =	shalt  }
0x60: {  	_ =	shalt  }
0x61: {  	_ =	shalt  }
0x62: {  	_ =	shalt  }
0x63: {  	_ =	shalt  }
0x64: {  	_ =	shalt  }
0x65: {  	_ =	shalt  }
0x66: {  	_ =	shalt  }
0x67: {  	_ =	shalt  }
0x68: {  	_ =	shalt  }
0x69: {  	_ =	shalt  }
0x6a: {  	_ =	shalt  }
0x6b: {  	_ =	shalt  }
0x6c: {  	_ =	shalt  }
0x6d: {  	_ =	shalt  }
0x6e: {  	_ =	shalt  }
0x6f: {  	_ =	shalt  }
0x70: {  	_ =	shalt  }
0x71: {  	_ =	shalt  }
0x72: {  	_ =	shalt  }
0x73: {  	_ =	shalt  }
0x74: {  	_ =	shalt  }
0x75: {  	_ =	shalt  }
0x76: {  	_ =	shalt  }
0x77: {  	_ =	shalt  }
0x78: {  	_ =	shalt  }
0x79: {  	_ =	shalt  }
0x7a: {  	_ =	shalt  }
0x7b: {  	_ =	shalt  }
0x7c: {  	_ =	shalt  }
0x7d: {  	_ =	shalt  }
0x7e: {  	_ =	shalt  }
0x7f: {  	_ =	shalt  }
0x80: {  	_ =	shalt  }
0x81: {  	_ =	shalt  }
0x82: {  	_ =	shalt  }
0x83: {  	_ =	shalt  }
0x84: {  	_ =	shalt  }
0x85: {  	_ =	shalt  }
0x86: {  	_ =	shalt  }
0x87: {  	_ =	shalt  }
.Lfunc_end0:
.L_simem_size_0:
called_computation_lowered:
.L_overlay_start_0:
0x88: {  	s2 =	sld [smem:$0x3FD9]  }
0x89: {  	s3 =	sld [smem:$0x3FFE];
	_ =	sdelay $0x1  }
0x8a: {  	s1 =	srdreg.scid  }
0x8b: {  	s0 =	sand.u32 $0x1, s1  }
0x8c: {  	s16 =	sshll.u32 s0, $0xA;
	s2 =	sadd.s32 s3, s2  }
0x8d: {  	s2 =	sadd.s32 s2, s16  }
0x8e: {  	[smem:$0x3FC5] =	sst s2  }
0x8f: {  	_ = 	snop  }
0x90: {  	(tm) =	ssettm $0x1  }
0x91: {  	s17 =	sld [smem:$0x3FFB];
	_ =	sdelay $0x3  }
0x92: {  	_ =	strace s17  }
0x93: {  	s2 =	sld [smem:$0x3FFC];
	_ =	sdelay $0x3  }
0x94: {  	_ =	strace s2  }
0x95: {  	s2 =	sld [smem:$0x3FFD];
	_ =	sdelay $0x3  }
0x96: {  	_ =	strace s2  }
0x97: {  	_ =	strace $0x8FFFFFFF  }
0x98: {  	s18 =	sld [smem:$0x3FDB];
	_ =	sdelay $0x1  }
0x99: {  	s19 =	simm.s32 $_scs_section_size  }
0x9a: {  	s4 =	simm.s32 $_size__tile_overlayer_lowered;
	s5 =	simm.s32 $_tile_overlayer_lowered  }
0x9b: {  	s22 =	simm.s32 $0x1BFF;
	s21 =	sshll.u32 s5, $0x1;
	s2 =	sadd.s32 s19, s18  }
0x9c: {  	s6 =	simm.s32 $0x0;
	s20 =	sshll.u32 s4, $0x1;
	s4 =	sadd.s32 s21, s2  }
0x9d: {  	[timem:s6], [sflag:s22] =	dma.local [hbm:s4], s20  }
0x9e: {  	_ =	swait.ge [sflag:s22], s20  }
0x9f: {  	s3 =	ssub.s32 $0x0, s20;
	[sflag:s22] =	ssyncset.done $0x0  }
0xa0: {  	[sflag:s22] =	ssyncadd.s32 s3;
	_ =	sdelay $0x1  }
0xa1: {  	s23 =	simm.s32 $0x1B8B  }
0xa2: {  	_ =	swait.ge [sflag:s23], $0x1  }
0xa3: {  	[sflag:s23] =	ssyncset.done $0x0  }
0xa4: {  	s25 =	simm.s32 $0x1B8E;
	s24 =	sld [smem:$0x3FFE];
	[sflag:s23] =	ssyncadd.s32 $0xFFFFFFFF  }
0xa5: {  	s26 =	simm.s32 $execute0_lowered;
	[smem:$0x3FD2] =	sst s25  }
0xa6: {  	s4 =	sshll.u32 s26, $0x1;
	_ =	strace $0x80000046;
	[dreg:$0x1] =	wrdreg $0xFFFFFFFF  }
0xa7: {  	s28 =	simm.s32 $_size_execute0_lowered;
	s2 =	sadd.s32 s2, s4;
	[dreg:$0x0] =	wrdreg $0x0  }
0xa8: {  	s4 =	sshll.u32 s28, $0x1;
	[dreg:$0x2] =	wrdreg s2  }
0xa9: {  	[dreg:$0x3] =	wrdreg s4  }
0xaa: {  	[dreg:$0x4] =	wrdreg $0xC0  }
0xab: {  	_ =	task [dreg:s6], $0x5FFFF  }
0xac: {  	[dreg:$0x1] =	wrdreg $0xFFFFFFFF  }
0xad: {  	[dreg:$0x0] =	wrdreg $0x60  }
0xae: {  	[dreg:$0x2] =	wrdreg s24  }
0xaf: {  	[dreg:$0x3] =	wrdreg $0x9  }
0xb0: {  	_ =	task.clear_ibuf [dreg:s6], $0x4FFFF;
	_ =	strace $0x90000046  }
0xb1: {  	s29 =	simm.s32 $0x9;
	_ =	strace $0x80000048  }
0xb2: {  	_ =	swait.ge [sflag:s29], $0x1  }
0xb3: {  	[sflag:s29] =	ssyncadd.s32 $0xFFFFFFFF  }
0xb4: {  	_ =	strace $0x90000048  }
0xb5: {  	_ =	sfence  }
0xb6: {  	s30 =	sld [smem:$0x0];
	_ =	sdelay $0x2  }
0xb7: {  	s31 =	sshll.u32 s1, $0xD;
	s1 =	sshrl.u32 s1, $0x2  }
0xb8: {  	s3 =	sand.u32 $0x4000, s31;
	s1 =	sadd.s32 s1, s30  }
0xb9: {  	s0 =	sor.u32 s3, s0;
	s1 =	sshll.u32 s1, $0x11  }
0xba: {  	s0 =	sor.u32 s1, s0  }
0xbb: {  	s0 =	sadd.s32 $0x8F2B, s0  }
0xbc: {  	[sflag:s0] =	ssyncadd.remote.s32 $0x1  }
0xbd: {  	_ =	sfence.sel $0xFFFF  }
0xbe: {  	[dreg:$0x0] =	wrdreg $0xFFFFFFFF;
	(pc) =	sbr.abs _section_cstart, $3  }
0xbf: {  	[dreg:$0x1] =	wrdreg $0xFFFFFFFF  }
0xc0: {  	_ =	task.clear_ibuf [dreg:s6], $0x2FFFF;
	_ =	strace $0x9FFFFFFF  }
0xc1: {  	(tm) =	ssettm $0x7FFFFFFF  }
tec
execute0_lowered:
.L_overlay_start_1:
0x0: {  	(tag) =	ssettag $0x1  }
0x1: {  	s1 =	srdreg.scid;
	s0 =	stileid.u32  }
0x2: {  	s4 =	rddreg [dreg:$0x0];
	s2 =	simm.s32 $0x0;
	s8 =	simm.s32 $0x3  }
0x3: {  	v0 =	vlaneseq.u32;
	s9 =	simm.s32 $0x2800;
	s10 =	simm.s32 $0x80;
	s11 =	simm.s32 $0x5000  }
0x4: {  	s12 =	simm.s32 $0x9000;
	s13 =	simm.s32 $0x1;
	s14 =	simm.s32 $0x2;
	v0 =	vmul.u32 $0x10, v0  }
0x5: {  	s15 =	simm.s32 $0xF800;
	s3 =	sand.u32 $0x1, s1;
	s31 =	sshll.u32 s0, $0x1  }
0x6: {  	s16 =	simm.s32 $0xD000;
	s17 =	simm.s32 $0x0;
	s5 =	sor.u32 s3, s31;
	v1 =	vor.u32 $0x1, v0;
	v2 =	vor.u32 $0x2, v0;
	v3 =	vor.u32 $0x3, v0  }
0x7: {  	[smem:$0x7FF] =	sst s2;
	s6 =	ssub.s32 $0x2, s3;
	s5 =	smul.u32 $0x500, s5;
	v4 =	vor.u32 $0x4, v0;
	v5 =	vor.u32 $0x5, v0;
	v6 =	vor.u32 $0x6, v0  }
0x8: {  	s1 =	rddreg [dreg:$0x1];
	_ =	strace $0x80000047;
	s7 =	sshrl.u32 s6, $0x1;
	v7 =	vor.u32 $0x7, v0;
	v8 =	vor.u32 $0x8, v0;
	v9 =	vor.u32 $0x9, v0  }
0x9: {  	v10 =	vor.u32 $0xA, v0;
	v11 =	vor.u32 $0xB, v0;
	v12 =	vor.u32 $0xC, v0;
	s7 =	ssub.s32 s6, s7;
	s3 =	sadd.s32 s4, s5;
	s4 =	sadd.s32 $0x14000, s4  }
0xa: {  	v13 =	vor.u32 $0xD, v0;
	v14 =	vor.u32 $0xE, v0;
	v15 =	vor.u32 $0xF, v0;
	s7 =	smax.u32 s7, $0x1;
	s5 =	sadd.s32 $0xA000, s3;
	s6 =	sadd.s32 $0x3B200, s3  }
.LBB2_1:
0xb: {  	[tilespmem:s2], [sflag:$0x3] =	stream.linear.gather [hbm4b:s3+s2], $0x2780, $0x38;
	[tilespmem:$0xF900] =	vst v63  }
0xc: {  	_ =	swait.ge [sflag:s8], $0x2780  }
0xd: {  	[sflag:s8] =	ssyncset.done $0x0  }
0xe: {  	[sflag:s8] =	ssyncadd.s32 $0xFFFFD880  }
0xf: {  	[tilespmem:s9], [sflag:$0x3] =	stream.linear.gather [hbm4b:s5+s2], $0x2780, $0x38;
	[tilespmem:$0xF900] =	vst v63  }
0x10: {  	_ =	swait.ge [sflag:s8], $0x2780  }
0x11: {  	[sflag:s8] =	ssyncset.done $0x0  }
0x12: {  	s18 =	simm.s32 $0x0;
	[sflag:s8] =	ssyncadd.s32 $0xFFFFD880  }
.LBB2_2:
0x13: {  	s19 =	sshll.u32 s18, $0x7  }
0x14: {  	[tilespmem:s11], [sflag:$0x1] =	stream.indirect.gather [hbm4b:s4+s10], $0x80, s19, s10, $0xb8;
	[tilespmem:$0xF900] =	vst v63  }
0x15: {  	s20 =	sadd.s32 $0x2800, s19  }
0x16: {  	[tilespmem:s12], [sflag:$0x2] =	stream.indirect.gather [hbm4b:s4+s10], $0x80, s20, s10, $0xb8;
	[tilespmem:$0xF900] =	vst v63  }
0x17: {  	_ =	swait.ge [sflag:s13], $0x4000  }
0x18: {  	[sflag:s13] =	ssyncset.done $0x0  }
0x19: {  	[sflag:s13] =	ssyncadd.s32 $0xFFFFC000  }
0x1a: {  	_ =	swait.ge [sflag:s14], $0x4000  }
0x1b: {  	s31 =	sadd.s32 $0xD000, s19;
	[sflag:s14] =	ssyncset.done $0x0  }
0x1c: {  	s19 =	simm.s32 $0x0;
	v16 =	vmov s31;
	[sflag:s14] =	ssyncadd.s32 $0xFFFFC000  }
.LBB2_3:
0x1d: {  	s20 =	sshll.u32 s19, $0xB  }
0x1e: {  	v17 =	vld [tilespmem:s20+$0x5000]  }
0x1f: {  	v18 =	vld [tilespmem:s20+$0x9000]  }
0x20: {  	v19 =	vld [tilespmem:s20+$0x5010]  }
0x21: {  	v20 =	vld [tilespmem:s20+$0x9010]  }
0x22: {  	v21 =	vld [tilespmem:s20+$0x5020]  }
0x23: {  	v22 =	vld [tilespmem:s20+$0x9020]  }
0x24: {  	v23 =	vld [tilespmem:s20+$0x9030];
	v17 =	vmul.f32 v18, v17  }
0x25: {  	v18 =	vld [tilespmem:s20+$0x5030]  }
0x26: {  	v32 =	vld [tilespmem:s20+$0x5040];
	v19 =	vmul.f32 v20, v19;
	v17 =	vadd.f32 $0.0e+00, v17  }
0x27: {  	v24 =	vld [tilespmem:s20+$0x9040]  }
0x28: {  	v33 =	vld [tilespmem:s20+$0x5050];
	v17 =	vadd.f32 v19, v17;
	v19 =	vmul.f32 v22, v21  }
0x29: {  	v34 =	vld [tilespmem:s20+$0x9050]  }
0x2a: {  	v35 =	vld [tilespmem:s20+$0x9060];
	v18 =	vmul.f32 v23, v18;
	v17 =	vadd.f32 v19, v17  }
0x2b: {  	v19 =	vld [tilespmem:s20+$0x5060]  }
0x2c: {  	v36 =	vld [tilespmem:s20+$0x5070];
	v17 =	vadd.f32 v18, v17;
	v18 =	vmul.f32 v24, v32  }
0x2d: {  	v37 =	vld [tilespmem:s20+$0x9070]  }
0x2e: {  	v17 =	vadd.f32 v18, v17;
	v18 =	vmul.f32 v34, v33;
	_ =	sdelay $0x1  }
0x2f: {  	v17 =	vadd.f32 v18, v17;
	v18 =	vmul.f32 v35, v19;
	_ =	sdelay $0x1  }
0x30: {  	v17 =	vadd.f32 v18, v17;
	v18 =	vmul.f32 v37, v36;
	_ =	sdelay $0x1  }
0x31: {  	v17 =	vadd.f32 v18, v17;
	_ =	sdelay $0x1  }
0x32: {  	[tilespmem:$0xF800] =	vst v17  }
0x33: {  	v17 =	vld [tilespmem:s20+$0x5080]  }
0x34: {  	v18 =	vld [tilespmem:s20+$0x9080]  }
0x35: {  	v19 =	vld [tilespmem:s20+$0x5090]  }
0x36: {  	v38 =	vld [tilespmem:s20+$0x9090]  }
0x37: {  	v39 =	vld [tilespmem:s20+$0x50A0]  }
0x38: {  	v40 =	vld [tilespmem:s20+$0x90A0]  }
0x39: {  	v41 =	vld [tilespmem:s20+$0x90B0];
	v17 =	vmul.f32 v18, v17  }
0x3a: {  	v18 =	vld [tilespmem:s20+$0x50B0]  }
0x3b: {  	v42 =	vld [tilespmem:s20+$0x50C0];
	v19 =	vmul.f32 v38, v19;
	v17 =	vadd.f32 $0.0e+00, v17  }
0x3c: {  	v43 =	vld [tilespmem:s20+$0x90C0]  }
0x3d: {  	v44 =	vld [tilespmem:s20+$0x50D0];
	v17 =	vadd.f32 v19, v17;
	v19 =	vmul.f32 v40, v39  }
0x3e: {  	v45 =	vld [tilespmem:s20+$0x90D0]  }
0x3f: {  	v46 =	vld [tilespmem:s20+$0x90E0];
	v18 =	vmul.f32 v41, v18;
	v17 =	vadd.f32 v19, v17  }
0x40: {  	v19 =	vld [tilespmem:s20+$0x50E0]  }
0x41: {  	v47 =	vld [tilespmem:s20+$0x50F0];
	v17 =	vadd.f32 v18, v17;
	v18 =	vmul.f32 v43, v42  }
0x42: {  	v48 =	vld [tilespmem:s20+$0x90F0]  }
0x43: {  	v17 =	vadd.f32 v18, v17;
	v18 =	vmul.f32 v45, v44;
	_ =	sdelay $0x1  }
0x44: {  	v17 =	vadd.f32 v18, v17;
	v18 =	vmul.f32 v46, v19;
	_ =	sdelay $0x1  }
0x45: {  	v17 =	vadd.f32 v18, v17;
	v18 =	vmul.f32 v48, v47;
	_ =	sdelay $0x1  }
0x46: {  	v17 =	vadd.f32 v18, v17;
	_ =	sdelay $0x1  }
0x47: {  	[tilespmem:$0xF810] =	vst v17  }
0x48: {  	v17 =	vld [tilespmem:s20+$0x5100]  }
0x49: {  	v18 =	vld [tilespmem:s20+$0x9100]  }
0x4a: {  	v19 =	vld [tilespmem:s20+$0x5110]  }
0x4b: {  	v49 =	vld [tilespmem:s20+$0x9110]  }
0x4c: {  	v50 =	vld [tilespmem:s20+$0x5120]  }
0x4d: {  	v51 =	vld [tilespmem:s20+$0x9120]  }
0x4e: {  	v52 =	vld [tilespmem:s20+$0x9130];
	v17 =	vmul.f32 v18, v17  }
0x4f: {  	v18 =	vld [tilespmem:s20+$0x5130]  }
0x50: {  	v53 =	vld [tilespmem:s20+$0x5140];
	v19 =	vmul.f32 v49, v19;
	v17 =	vadd.f32 $0.0e+00, v17  }
0x51: {  	v54 =	vld [tilespmem:s20+$0x9140]  }
0x52: {  	v55 =	vld [tilespmem:s20+$0x5150];
	v17 =	vadd.f32 v19, v17;
	v19 =	vmul.f32 v51, v50  }
0x53: {  	v56 =	vld [tilespmem:s20+$0x9150]  }
0x54: {  	v57 =	vld [tilespmem:s20+$0x9160];
	v18 =	vmul.f32 v52, v18;
	v17 =	vadd.f32 v19, v17  }
0x55: {  	v19 =	vld [tilespmem:s20+$0x5160]  }
0x56: {  	v58 =	vld [tilespmem:s20+$0x5170];
	v17 =	vadd.f32 v18, v17;
	v18 =	vmul.f32 v54, v53  }
0x57: {  	v59 =	vld [tilespmem:s20+$0x9170]  }
0x58: {  	v17 =	vadd.f32 v18, v17;
	v18 =	vmul.f32 v56, v55;
	_ =	sdelay $0x1  }
0x59: {  	v17 =	vadd.f32 v18, v17;
	v18 =	vmul.f32 v57, v19;
	_ =	sdelay $0x1  }
0x5a: {  	v17 =	vadd.f32 v18, v17;
	v18 =	vmul.f32 v59, v58;
	_ =	sdelay $0x1  }
0x5b: {  	v17 =	vadd.f32 v18, v17;
	_ =	sdelay $0x1  }
0x5c: {  	[tilespmem:$0xF820] =	vst v17  }
0x5d: {  	v17 =	vld [tilespmem:s20+$0x5180]  }
0x5e: {  	v18 =	vld [tilespmem:s20+$0x9180]  }
0x5f: {  	v19 =	vld [tilespmem:s20+$0x5190]  }
0x60: {  	v60 =	vld [tilespmem:s20+$0x9190]  }
0x61: {  	v61 =	vld [tilespmem:s20+$0x51A0]  }
0x62: {  	v62 =	vld [tilespmem:s20+$0x91A0]  }
0x63: {  	v63 =	vld [tilespmem:s20+$0x91B0];
	v17 =	vmul.f32 v18, v17  }
0x64: {  	v18 =	vld [tilespmem:s20+$0x51B0]  }
0x65: {  	v28 =	vld [tilespmem:s20+$0x51C0];
	v19 =	vmul.f32 v60, v19;
	v17 =	vadd.f32 $0.0e+00, v17  }
0x66: {  	v29 =	vld [tilespmem:s20+$0x91C0]  }
0x67: {  	v30 =	vld [tilespmem:s20+$0x51D0];
	v17 =	vadd.f32 v19, v17;
	v19 =	vmul.f32 v62, v61  }
0x68: {  	v31 =	vld [tilespmem:s20+$0x91D0]  }
0x69: {  	v32 =	vld [tilespmem:s20+$0x91E0];
	v18 =	vmul.f32 v63, v18;
	v17 =	vadd.f32 v19, v17  }
0x6a: {  	v19 =	vld [tilespmem:s20+$0x51E0]  }
0x6b: {  	v33 =	vld [tilespmem:s20+$0x51F0];
	v17 =	vadd.f32 v18, v17;
	v18 =	vmul.f32 v29, v28  }
0x6c: {  	v34 =	vld [tilespmem:s20+$0x91F0]  }
0x6d: {  	v17 =	vadd.f32 v18, v17;
	v18 =	vmul.f32 v31, v30;
	_ =	sdelay $0x1  }
0x6e: {  	v17 =	vadd.f32 v18, v17;
	v18 =	vmul.f32 v32, v19;
	_ =	sdelay $0x1  }
0x6f: {  	v17 =	vadd.f32 v18, v17;
	v18 =	vmul.f32 v34, v33;
	_ =	sdelay $0x1  }
0x70: {  	v17 =	vadd.f32 v18, v17;
	_ =	sdelay $0x1  }
0x71: {  	[tilespmem:$0xF830] =	vst v17  }
0x72: {  	v17 =	vld [tilespmem:s20+$0x5200]  }
0x73: {  	v18 =	vld [tilespmem:s20+$0x9200]  }
0x74: {  	v19 =	vld [tilespmem:s20+$0x5210]  }
0x75: {  	v35 =	vld [tilespmem:s20+$0x9210]  }
0x76: {  	v36 =	vld [tilespmem:s20+$0x5220]  }
0x77: {  	v37 =	vld [tilespmem:s20+$0x9220]  }
0x78: {  	v38 =	vld [tilespmem:s20+$0x9230];
	v17 =	vmul.f32 v18, v17  }
0x79: {  	v18 =	vld [tilespmem:s20+$0x5230]  }
0x7a: {  	v39 =	vld [tilespmem:s20+$0x5240];
	v19 =	vmul.f32 v35, v19;
	v17 =	vadd.f32 $0.0e+00, v17  }
0x7b: {  	v40 =	vld [tilespmem:s20+$0x9240]  }
0x7c: {  	v41 =	vld [tilespmem:s20+$0x5250];
	v17 =	vadd.f32 v19, v17;
	v19 =	vmul.f32 v37, v36  }
0x7d: {  	v42 =	vld [tilespmem:s20+$0x9250]  }
0x7e: {  	v43 =	vld [tilespmem:s20+$0x9260];
	v18 =	vmul.f32 v38, v18;
	v17 =	vadd.f32 v19, v17  }
0x7f: {  	v19 =	vld [tilespmem:s20+$0x5260]  }
0x80: {  	v44 =	vld [tilespmem:s20+$0x5270];
	v17 =	vadd.f32 v18, v17;
	v18 =	vmul.f32 v40, v39  }
0x81: {  	v45 =	vld [tilespmem:s20+$0x9270]  }
0x82: {  	v17 =	vadd.f32 v18, v17;
	v18 =	vmul.f32 v42, v41;
	_ =	sdelay $0x1  }
0x83: {  	v17 =	vadd.f32 v18, v17;
	v18 =	vmul.f32 v43, v19;
	_ =	sdelay $0x1  }
0x84: {  	v17 =	vadd.f32 v18, v17;
	v18 =	vmul.f32 v45, v44;
	_ =	sdelay $0x1  }
0x85: {  	v17 =	vadd.f32 v18, v17;
	_ =	sdelay $0x1  }
0x86: {  	[tilespmem:$0xF840] =	vst v17  }
0x87: {  	v17 =	vld [tilespmem:s20+$0x5280]  }
0x88: {  	v18 =	vld [tilespmem:s20+$0x9280]  }
0x89: {  	v19 =	vld [tilespmem:s20+$0x5290]  }
0x8a: {  	v46 =	vld [tilespmem:s20+$0x9290]  }
0x8b: {  	v47 =	vld [tilespmem:s20+$0x52A0]  }
0x8c: {  	v48 =	vld [tilespmem:s20+$0x92A0]  }
0x8d: {  	v49 =	vld [tilespmem:s20+$0x92B0];
	v17 =	vmul.f32 v18, v17  }
0x8e: {  	v18 =	vld [tilespmem:s20+$0x52B0]  }
0x8f: {  	v50 =	vld [tilespmem:s20+$0x52C0];
	v19 =	vmul.f32 v46, v19;
	v17 =	vadd.f32 $0.0e+00, v17  }
0x90: {  	v51 =	vld [tilespmem:s20+$0x92C0]  }
0x91: {  	v52 =	vld [tilespmem:s20+$0x52D0];
	v17 =	vadd.f32 v19, v17;
	v19 =	vmul.f32 v48, v47  }
0x92: {  	v53 =	vld [tilespmem:s20+$0x92D0]  }
0x93: {  	v54 =	vld [tilespmem:s20+$0x92E0];
	v18 =	vmul.f32 v49, v18;
	v17 =	vadd.f32 v19, v17  }
0x94: {  	v19 =	vld [tilespmem:s20+$0x52E0]  }
0x95: {  	v55 =	vld [tilespmem:s20+$0x52F0];
	v17 =	vadd.f32 v18, v17;
	v18 =	vmul.f32 v51, v50  }
0x96: {  	v56 =	vld [tilespmem:s20+$0x92F0]  }
0x97: {  	v17 =	vadd.f32 v18, v17;
	v18 =	vmul.f32 v53, v52;
	_ =	sdelay $0x1  }
0x98: {  	v17 =	vadd.f32 v18, v17;
	v18 =	vmul.f32 v54, v19;
	_ =	sdelay $0x1  }
0x99: {  	v17 =	vadd.f32 v18, v17;
	v18 =	vmul.f32 v56, v55;
	_ =	sdelay $0x1  }
0x9a: {  	v17 =	vadd.f32 v18, v17;
	_ =	sdelay $0x1  }
0x9b: {  	[tilespmem:$0xF850] =	vst v17  }
0x9c: {  	v17 =	vld [tilespmem:s20+$0x5300]  }
0x9d: {  	v18 =	vld [tilespmem:s20+$0x9300]  }
0x9e: {  	v19 =	vld [tilespmem:s20+$0x5310]  }
0x9f: {  	v57 =	vld [tilespmem:s20+$0x9310]  }
0xa0: {  	v58 =	vld [tilespmem:s20+$0x5320]  }
0xa1: {  	v59 =	vld [tilespmem:s20+$0x9320]  }
0xa2: {  	v60 =	vld [tilespmem:s20+$0x9330];
	v17 =	vmul.f32 v18, v17  }
0xa3: {  	v18 =	vld [tilespmem:s20+$0x5330]  }
0xa4: {  	v61 =	vld [tilespmem:s20+$0x5340];
	v19 =	vmul.f32 v57, v19;
	v17 =	vadd.f32 $0.0e+00, v17  }
0xa5: {  	v62 =	vld [tilespmem:s20+$0x9340]  }
0xa6: {  	v63 =	vld [tilespmem:s20+$0x5350];
	v17 =	vadd.f32 v19, v17;
	v19 =	vmul.f32 v59, v58  }
0xa7: {  	v28 =	vld [tilespmem:s20+$0x9350]  }
0xa8: {  	v29 =	vld [tilespmem:s20+$0x9360];
	v18 =	vmul.f32 v60, v18;
	v17 =	vadd.f32 v19, v17  }
0xa9: {  	v19 =	vld [tilespmem:s20+$0x5360]  }
0xaa: {  	v30 =	vld [tilespmem:s20+$0x5370];
	v17 =	vadd.f32 v18, v17;
	v18 =	vmul.f32 v62, v61  }
0xab: {  	v31 =	vld [tilespmem:s20+$0x9370]  }
0xac: {  	v17 =	vadd.f32 v18, v17;
	v18 =	vmul.f32 v28, v63;
	_ =	sdelay $0x1  }
0xad: {  	v17 =	vadd.f32 v18, v17;
	v18 =	vmul.f32 v29, v19;
	_ =	sdelay $0x1  }
0xae: {  	v17 =	vadd.f32 v18, v17;
	v18 =	vmul.f32 v31, v30;
	_ =	sdelay $0x1  }
0xaf: {  	v17 =	vadd.f32 v18, v17;
	_ =	sdelay $0x1  }
0xb0: {  	[tilespmem:$0xF860] =	vst v17  }
0xb1: {  	v17 =	vld [tilespmem:s20+$0x5380]  }
0xb2: {  	v18 =	vld [tilespmem:s20+$0x9380]  }
0xb3: {  	v19 =	vld [tilespmem:s20+$0x5390]  }
0xb4: {  	v32 =	vld [tilespmem:s20+$0x9390]  }
0xb5: {  	v33 =	vld [tilespmem:s20+$0x53A0]  }
0xb6: {  	v34 =	vld [tilespmem:s20+$0x93A0]  }
0xb7: {  	v35 =	vld [tilespmem:s20+$0x93B0];
	v17 =	vmul.f32 v18, v17  }
0xb8: {  	v18 =	vld [tilespmem:s20+$0x53B0]  }
0xb9: {  	v36 =	vld [tilespmem:s20+$0x53C0];
	v19 =	vmul.f32 v32, v19;
	v17 =	vadd.f32 $0.0e+00, v17  }
0xba: {  	v37 =	vld [tilespmem:s20+$0x93C0]  }
0xbb: {  	v38 =	vld [tilespmem:s20+$0x53D0];
	v17 =	vadd.f32 v19, v17;
	v19 =	vmul.f32 v34, v33  }
0xbc: {  	v39 =	vld [tilespmem:s20+$0x93D0]  }
0xbd: {  	v40 =	vld [tilespmem:s20+$0x93E0];
	v18 =	vmul.f32 v35, v18;
	v17 =	vadd.f32 v19, v17  }
0xbe: {  	v19 =	vld [tilespmem:s20+$0x53E0]  }
0xbf: {  	v41 =	vld [tilespmem:s20+$0x53F0];
	v17 =	vadd.f32 v18, v17;
	v18 =	vmul.f32 v37, v36  }
0xc0: {  	v42 =	vld [tilespmem:s20+$0x93F0]  }
0xc1: {  	v17 =	vadd.f32 v18, v17;
	v18 =	vmul.f32 v39, v38;
	_ =	sdelay $0x1  }
0xc2: {  	v17 =	vadd.f32 v18, v17;
	v18 =	vmul.f32 v40, v19;
	_ =	sdelay $0x1  }
0xc3: {  	v17 =	vadd.f32 v18, v17;
	v18 =	vmul.f32 v42, v41;
	_ =	sdelay $0x1  }
0xc4: {  	v17 =	vadd.f32 v18, v17;
	_ =	sdelay $0x1  }
0xc5: {  	[tilespmem:$0xF870] =	vst v17  }
0xc6: {  	v17 =	vld [tilespmem:s20+$0x5400]  }
0xc7: {  	v18 =	vld [tilespmem:s20+$0x9400]  }
0xc8: {  	v19 =	vld [tilespmem:s20+$0x5410]  }
0xc9: {  	v43 =	vld [tilespmem:s20+$0x9410]  }
0xca: {  	v44 =	vld [tilespmem:s20+$0x5420]  }
0xcb: {  	v45 =	vld [tilespmem:s20+$0x9420]  }
0xcc: {  	v46 =	vld [tilespmem:s20+$0x9430];
	v17 =	vmul.f32 v18, v17  }
0xcd: {  	v18 =	vld [tilespmem:s20+$0x5430]  }
0xce: {  	v47 =	vld [tilespmem:s20+$0x5440];
	v19 =	vmul.f32 v43, v19;
	v17 =	vadd.f32 $0.0e+00, v17  }
0xcf: {  	v48 =	vld [tilespmem:s20+$0x9440]  }
0xd0: {  	v49 =	vld [tilespmem:s20+$0x5450];
	v17 =	vadd.f32 v19, v17;
	v19 =	vmul.f32 v45, v44  }
0xd1: {  	v50 =	vld [tilespmem:s20+$0x9450]  }
0xd2: {  	v51 =	vld [tilespmem:s20+$0x9460];
	v18 =	vmul.f32 v46, v18;
	v17 =	vadd.f32 v19, v17  }
0xd3: {  	v19 =	vld [tilespmem:s20+$0x5460]  }
0xd4: {  	v52 =	vld [tilespmem:s20+$0x5470];
	v17 =	vadd.f32 v18, v17;
	v18 =	vmul.f32 v48, v47  }
0xd5: {  	v53 =	vld [tilespmem:s20+$0x9470]  }
0xd6: {  	v17 =	vadd.f32 v18, v17;
	v18 =	vmul.f32 v50, v49;
	_ =	sdelay $0x1  }
0xd7: {  	v17 =	vadd.f32 v18, v17;
	v18 =	vmul.f32 v51, v19;
	_ =	sdelay $0x1  }
0xd8: {  	v17 =	vadd.f32 v18, v17;
	v18 =	vmul.f32 v53, v52;
	_ =	sdelay $0x1  }
0xd9: {  	v17 =	vadd.f32 v18, v17;
	_ =	sdelay $0x1  }
0xda: {  	[tilespmem:$0xF880] =	vst v17  }
0xdb: {  	v17 =	vld [tilespmem:s20+$0x5480]  }
0xdc: {  	v18 =	vld [tilespmem:s20+$0x9480]  }
0xdd: {  	v19 =	vld [tilespmem:s20+$0x5490]  }
0xde: {  	v54 =	vld [tilespmem:s20+$0x9490]  }
0xdf: {  	v55 =	vld [tilespmem:s20+$0x54A0]  }
0xe0: {  	v56 =	vld [tilespmem:s20+$0x94A0]  }
0xe1: {  	v57 =	vld [tilespmem:s20+$0x94B0];
	v17 =	vmul.f32 v18, v17  }
0xe2: {  	v18 =	vld [tilespmem:s20+$0x54B0]  }
0xe3: {  	v58 =	vld [tilespmem:s20+$0x54C0];
	v19 =	vmul.f32 v54, v19;
	v17 =	vadd.f32 $0.0e+00, v17  }
0xe4: {  	v59 =	vld [tilespmem:s20+$0x94C0]  }
0xe5: {  	v60 =	vld [tilespmem:s20+$0x54D0];
	v17 =	vadd.f32 v19, v17;
	v19 =	vmul.f32 v56, v55  }
0xe6: {  	v61 =	vld [tilespmem:s20+$0x94D0]  }
0xe7: {  	v62 =	vld [tilespmem:s20+$0x94E0];
	v18 =	vmul.f32 v57, v18;
	v17 =	vadd.f32 v19, v17  }
0xe8: {  	v19 =	vld [tilespmem:s20+$0x54E0]  }
0xe9: {  	v63 =	vld [tilespmem:s20+$0x54F0];
	v17 =	vadd.f32 v18, v17;
	v18 =	vmul.f32 v59, v58  }
0xea: {  	v28 =	vld [tilespmem:s20+$0x94F0]  }
0xeb: {  	v17 =	vadd.f32 v18, v17;
	v18 =	vmul.f32 v61, v60;
	_ =	sdelay $0x1  }
0xec: {  	v17 =	vadd.f32 v18, v17;
	v18 =	vmul.f32 v62, v19;
	_ =	sdelay $0x1  }
0xed: {  	v17 =	vadd.f32 v18, v17;
	v18 =	vmul.f32 v28, v63;
	_ =	sdelay $0x1  }
0xee: {  	v17 =	vadd.f32 v18, v17;
	_ =	sdelay $0x1  }
0xef: {  	[tilespmem:$0xF890] =	vst v17  }
0xf0: {  	v17 =	vld [tilespmem:s20+$0x5500]  }
0xf1: {  	v18 =	vld [tilespmem:s20+$0x9500]  }
0xf2: {  	v19 =	vld [tilespmem:s20+$0x5510]  }
0xf3: {  	v29 =	vld [tilespmem:s20+$0x9510]  }
0xf4: {  	v30 =	vld [tilespmem:s20+$0x5520]  }
0xf5: {  	v31 =	vld [tilespmem:s20+$0x9520]  }
0xf6: {  	v32 =	vld [tilespmem:s20+$0x9530];
	v17 =	vmul.f32 v18, v17  }
0xf7: {  	v18 =	vld [tilespmem:s20+$0x5530]  }
0xf8: {  	v33 =	vld [tilespmem:s20+$0x5540];
	v19 =	vmul.f32 v29, v19;
	v17 =	vadd.f32 $0.0e+00, v17  }
0xf9: {  	v34 =	vld [tilespmem:s20+$0x9540]  }
0xfa: {  	v35 =	vld [tilespmem:s20+$0x5550];
	v17 =	vadd.f32 v19, v17;
	v19 =	vmul.f32 v31, v30  }
0xfb: {  	v36 =	vld [tilespmem:s20+$0x9550]  }
0xfc: {  	v37 =	vld [tilespmem:s20+$0x9560];
	v18 =	vmul.f32 v32, v18;
	v17 =	vadd.f32 v19, v17  }
0xfd: {  	v19 =	vld [tilespmem:s20+$0x5560]  }
0xfe: {  	v38 =	vld [tilespmem:s20+$0x5570];
	v17 =	vadd.f32 v18, v17;
	v18 =	vmul.f32 v34, v33  }
0xff: {  	v39 =	vld [tilespmem:s20+$0x9570]  }
0x100: {  	v17 =	vadd.f32 v18, v17;
	v18 =	vmul.f32 v36, v35;
	_ =	sdelay $0x1  }
0x101: {  	v17 =	vadd.f32 v18, v17;
	v18 =	vmul.f32 v37, v19;
	_ =	sdelay $0x1  }
0x102: {  	v17 =	vadd.f32 v18, v17;
	v18 =	vmul.f32 v39, v38;
	_ =	sdelay $0x1  }
0x103: {  	v17 =	vadd.f32 v18, v17;
	_ =	sdelay $0x1  }
0x104: {  	[tilespmem:$0xF8A0] =	vst v17  }
0x105: {  	v17 =	vld [tilespmem:s20+$0x5580]  }
0x106: {  	v18 =	vld [tilespmem:s20+$0x9580]  }
0x107: {  	v19 =	vld [tilespmem:s20+$0x5590]  }
0x108: {  	v40 =	vld [tilespmem:s20+$0x9590]  }
0x109: {  	v41 =	vld [tilespmem:s20+$0x55A0]  }
0x10a: {  	v42 =	vld [tilespmem:s20+$0x95A0]  }
0x10b: {  	v43 =	vld [tilespmem:s20+$0x95B0];
	v17 =	vmul.f32 v18, v17  }
0x10c: {  	v18 =	vld [tilespmem:s20+$0x55B0]  }
0x10d: {  	v44 =	vld [tilespmem:s20+$0x55C0];
	v19 =	vmul.f32 v40, v19;
	v17 =	vadd.f32 $0.0e+00, v17  }
0x10e: {  	v45 =	vld [tilespmem:s20+$0x95C0]  }
0x10f: {  	v46 =	vld [tilespmem:s20+$0x55D0];
	v17 =	vadd.f32 v19, v17;
	v19 =	vmul.f32 v42, v41  }
0x110: {  	v47 =	vld [tilespmem:s20+$0x95D0]  }
0x111: {  	v48 =	vld [tilespmem:s20+$0x95E0];
	v18 =	vmul.f32 v43, v18;
	v17 =	vadd.f32 v19, v17  }
0x112: {  	v19 =	vld [tilespmem:s20+$0x55E0]  }
0x113: {  	v49 =	vld [tilespmem:s20+$0x55F0];
	v17 =	vadd.f32 v18, v17;
	v18 =	vmul.f32 v45, v44  }
0x114: {  	v50 =	vld [tilespmem:s20+$0x95F0]  }
0x115: {  	v17 =	vadd.f32 v18, v17;
	v18 =	vmul.f32 v47, v46;
	_ =	sdelay $0x1  }
0x116: {  	v17 =	vadd.f32 v18, v17;
	v18 =	vmul.f32 v48, v19;
	_ =	sdelay $0x1  }
0x117: {  	v17 =	vadd.f32 v18, v17;
	v18 =	vmul.f32 v50, v49;
	_ =	sdelay $0x1  }
0x118: {  	v17 =	vadd.f32 v18, v17;
	_ =	sdelay $0x1  }
0x119: {  	[tilespmem:$0xF8B0] =	vst v17  }
0x11a: {  	v17 =	vld [tilespmem:s20+$0x5600]  }
0x11b: {  	v18 =	vld [tilespmem:s20+$0x9600]  }
0x11c: {  	v19 =	vld [tilespmem:s20+$0x5610]  }
0x11d: {  	v51 =	vld [tilespmem:s20+$0x9610]  }
0x11e: {  	v52 =	vld [tilespmem:s20+$0x5620]  }
0x11f: {  	v53 =	vld [tilespmem:s20+$0x9620]  }
0x120: {  	v54 =	vld [tilespmem:s20+$0x9630];
	v17 =	vmul.f32 v18, v17  }
0x121: {  	v18 =	vld [tilespmem:s20+$0x5630]  }
0x122: {  	v55 =	vld [tilespmem:s20+$0x5640];
	v19 =	vmul.f32 v51, v19;
	v17 =	vadd.f32 $0.0e+00, v17  }
0x123: {  	v56 =	vld [tilespmem:s20+$0x9640]  }
0x124: {  	v57 =	vld [tilespmem:s20+$0x5650];
	v17 =	vadd.f32 v19, v17;
	v19 =	vmul.f32 v53, v52  }
0x125: {  	v58 =	vld [tilespmem:s20+$0x9650]  }
0x126: {  	v59 =	vld [tilespmem:s20+$0x9660];
	v18 =	vmul.f32 v54, v18;
	v17 =	vadd.f32 v19, v17  }
0x127: {  	v19 =	vld [tilespmem:s20+$0x5660]  }
0x128: {  	v60 =	vld [tilespmem:s20+$0x5670];
	v17 =	vadd.f32 v18, v17;
	v18 =	vmul.f32 v56, v55  }
0x129: {  	v61 =	vld [tilespmem:s20+$0x9670]  }
0x12a: {  	v17 =	vadd.f32 v18, v17;
	v18 =	vmul.f32 v58, v57;
	_ =	sdelay $0x1  }
0x12b: {  	v17 =	vadd.f32 v18, v17;
	v18 =	vmul.f32 v59, v19;
	_ =	sdelay $0x1  }
0x12c: {  	v17 =	vadd.f32 v18, v17;
	v18 =	vmul.f32 v61, v60;
	_ =	sdelay $0x1  }
0x12d: {  	v17 =	vadd.f32 v18, v17;
	_ =	sdelay $0x1  }
0x12e: {  	[tilespmem:$0xF8C0] =	vst v17  }
0x12f: {  	v17 =	vld [tilespmem:s20+$0x5680]  }
0x130: {  	v18 =	vld [tilespmem:s20+$0x9680]  }
0x131: {  	v19 =	vld [tilespmem:s20+$0x5690]  }
0x132: {  	v62 =	vld [tilespmem:s20+$0x9690]  }
0x133: {  	v63 =	vld [tilespmem:s20+$0x56A0]  }
0x134: {  	v28 =	vld [tilespmem:s20+$0x96A0]  }
0x135: {  	v29 =	vld [tilespmem:s20+$0x96B0];
	v17 =	vmul.f32 v18, v17  }
0x136: {  	v18 =	vld [tilespmem:s20+$0x56B0]  }
0x137: {  	v30 =	vld [tilespmem:s20+$0x56C0];
	v19 =	vmul.f32 v62, v19;
	v17 =	vadd.f32 $0.0e+00, v17  }
0x138: {  	v31 =	vld [tilespmem:s20+$0x96C0]  }
0x139: {  	v32 =	vld [tilespmem:s20+$0x56D0];
	v17 =	vadd.f32 v19, v17;
	v19 =	vmul.f32 v28, v63  }
0x13a: {  	v33 =	vld [tilespmem:s20+$0x96D0]  }
0x13b: {  	v34 =	vld [tilespmem:s20+$0x96E0];
	v18 =	vmul.f32 v29, v18;
	v17 =	vadd.f32 v19, v17  }
0x13c: {  	v19 =	vld [tilespmem:s20+$0x56E0]  }
0x13d: {  	v35 =	vld [tilespmem:s20+$0x56F0];
	v17 =	vadd.f32 v18, v17;
	v18 =	vmul.f32 v31, v30  }
0x13e: {  	v36 =	vld [tilespmem:s20+$0x96F0]  }
0x13f: {  	v17 =	vadd.f32 v18, v17;
	v18 =	vmul.f32 v33, v32;
	_ =	sdelay $0x1  }
0x140: {  	v17 =	vadd.f32 v18, v17;
	v18 =	vmul.f32 v34, v19;
	_ =	sdelay $0x1  }
0x141: {  	v17 =	vadd.f32 v18, v17;
	v18 =	vmul.f32 v36, v35;
	_ =	sdelay $0x1  }
0x142: {  	v17 =	vadd.f32 v18, v17;
	_ =	sdelay $0x1  }
0x143: {  	[tilespmem:$0xF8D0] =	vst v17  }
0x144: {  	v17 =	vld [tilespmem:s20+$0x5700]  }
0x145: {  	v18 =	vld [tilespmem:s20+$0x9700]  }
0x146: {  	v19 =	vld [tilespmem:s20+$0x5710]  }
0x147: {  	v37 =	vld [tilespmem:s20+$0x9710]  }
0x148: {  	v38 =	vld [tilespmem:s20+$0x5720]  }
0x149: {  	v39 =	vld [tilespmem:s20+$0x9720]  }
0x14a: {  	v40 =	vld [tilespmem:s20+$0x9730];
	v17 =	vmul.f32 v18, v17  }
0x14b: {  	v18 =	vld [tilespmem:s20+$0x5730]  }
0x14c: {  	v41 =	vld [tilespmem:s20+$0x5740];
	v19 =	vmul.f32 v37, v19;
	v17 =	vadd.f32 $0.0e+00, v17  }
0x14d: {  	v42 =	vld [tilespmem:s20+$0x9740]  }
0x14e: {  	v43 =	vld [tilespmem:s20+$0x5750];
	v17 =	vadd.f32 v19, v17;
	v19 =	vmul.f32 v39, v38  }
0x14f: {  	v44 =	vld [tilespmem:s20+$0x9750]  }
0x150: {  	v45 =	vld [tilespmem:s20+$0x9760];
	v18 =	vmul.f32 v40, v18;
	v17 =	vadd.f32 v19, v17  }
0x151: {  	v19 =	vld [tilespmem:s20+$0x5760]  }
0x152: {  	v46 =	vld [tilespmem:s20+$0x5770];
	v17 =	vadd.f32 v18, v17;
	v18 =	vmul.f32 v42, v41  }
0x153: {  	v47 =	vld [tilespmem:s20+$0x9770]  }
0x154: {  	v17 =	vadd.f32 v18, v17;
	v18 =	vmul.f32 v44, v43;
	_ =	sdelay $0x1  }
0x155: {  	v17 =	vadd.f32 v18, v17;
	v18 =	vmul.f32 v45, v19;
	_ =	sdelay $0x1  }
0x156: {  	v17 =	vadd.f32 v18, v17;
	v18 =	vmul.f32 v47, v46;
	_ =	sdelay $0x1  }
0x157: {  	v17 =	vadd.f32 v18, v17;
	_ =	sdelay $0x1  }
0x158: {  	[tilespmem:$0xF8E0] =	vst v17  }
0x159: {  	v17 =	vld [tilespmem:s20+$0x5780]  }
0x15a: {  	v18 =	vld [tilespmem:s20+$0x9780]  }
0x15b: {  	v19 =	vld [tilespmem:s20+$0x5790]  }
0x15c: {  	v48 =	vld [tilespmem:s20+$0x9790]  }
0x15d: {  	v49 =	vld [tilespmem:s20+$0x57A0]  }
0x15e: {  	v50 =	vld [tilespmem:s20+$0x97A0]  }
0x15f: {  	v51 =	vld [tilespmem:s20+$0x97B0];
	v17 =	vmul.f32 v18, v17  }
0x160: {  	v18 =	vld [tilespmem:s20+$0x57B0]  }
0x161: {  	v52 =	vld [tilespmem:s20+$0x57C0];
	v19 =	vmul.f32 v48, v19;
	v17 =	vadd.f32 $0.0e+00, v17  }
0x162: {  	v53 =	vld [tilespmem:s20+$0x97C0]  }
0x163: {  	v54 =	vld [tilespmem:s20+$0x57D0];
	v17 =	vadd.f32 v19, v17;
	v19 =	vmul.f32 v50, v49  }
0x164: {  	v55 =	vld [tilespmem:s20+$0x97D0]  }
0x165: {  	v56 =	vld [tilespmem:s20+$0x97E0];
	v18 =	vmul.f32 v51, v18;
	v17 =	vadd.f32 v19, v17  }
0x166: {  	v19 =	vld [tilespmem:s20+$0x57E0]  }
0x167: {  	v57 =	vld [tilespmem:s20+$0x57F0];
	v17 =	vadd.f32 v18, v17;
	v18 =	vmul.f32 v53, v52  }
0x168: {  	v58 =	vld [tilespmem:s20+$0x97F0]  }
0x169: {  	v17 =	vadd.f32 v18, v17;
	v18 =	vmul.f32 v55, v54;
	_ =	sdelay $0x1  }
0x16a: {  	v17 =	vadd.f32 v18, v17;
	v18 =	vmul.f32 v56, v19;
	_ =	sdelay $0x1  }
0x16b: {  	v17 =	vadd.f32 v18, v17;
	v18 =	vmul.f32 v58, v57;
	_ =	sdelay $0x1  }
0x16c: {  	v17 =	vadd.f32 v18, v17;
	_ =	sdelay $0x1  }
0x16d: {  	[tilespmem:$0xF8F0] =	vst v17  }
0x16e: {  	v17 =	vld.idx.msk [tilespmem:v0+s15+$0x0], $0xffff;
	_ =	sdelay $0x1  }
0x16f: {  	v18 =	vld.idx.msk [tilespmem:v1+s15+$0x0], $0xffff;
	_ =	sdelay $0x1  }
0x170: {  	v19 =	vld.idx.msk [tilespmem:v2+s15+$0x0], $0xffff  }
0x171: {  	v17 =	vadd.f32 $0.0e+00, v17  }
0x172: {  	v59 =	vld.idx.msk [tilespmem:v3+s15+$0x0], $0xffff  }
0x173: {  	v17 =	vadd.f32 v18, v17  }
0x174: {  	v18 =	vld.idx.msk [tilespmem:v4+s15+$0x0], $0xffff  }
0x175: {  	v17 =	vadd.f32 v19, v17  }
0x176: {  	v19 =	vld.idx.msk [tilespmem:v5+s15+$0x0], $0xffff  }
0x177: {  	v17 =	vadd.f32 v59, v17  }
0x178: {  	v60 =	vld.idx.msk [tilespmem:v6+s15+$0x0], $0xffff  }
0x179: {  	v17 =	vadd.f32 v18, v17  }
0x17a: {  	v18 =	vld.idx.msk [tilespmem:v7+s15+$0x0], $0xffff  }
0x17b: {  	v17 =	vadd.f32 v19, v17  }
0x17c: {  	v19 =	vld.idx.msk [tilespmem:v8+s15+$0x0], $0xffff  }
0x17d: {  	v17 =	vadd.f32 v60, v17  }
0x17e: {  	v61 =	vld.idx.msk [tilespmem:v9+s15+$0x0], $0xffff  }
0x17f: {  	v17 =	vadd.f32 v18, v17  }
0x180: {  	v18 =	vld.idx.msk [tilespmem:v10+s15+$0x0], $0xffff  }
0x181: {  	v17 =	vadd.f32 v19, v17  }
0x182: {  	v19 =	vld.idx.msk [tilespmem:v11+s15+$0x0], $0xffff  }
0x183: {  	v17 =	vadd.f32 v61, v17  }
0x184: {  	v62 =	vld.idx.msk [tilespmem:v12+s15+$0x0], $0xffff  }
0x185: {  	v17 =	vadd.f32 v18, v17  }
0x186: {  	v18 =	vld.idx.msk [tilespmem:v13+s15+$0x0], $0xffff  }
0x187: {  	v17 =	vadd.f32 v19, v17  }
0x188: {  	v19 =	vld.idx.msk [tilespmem:v14+s15+$0x0], $0xffff  }
0x189: {  	v17 =	vadd.f32 v62, v17  }
0x18a: {  	v63 =	vld.idx.msk [tilespmem:v15+s15+$0x0], $0xffff  }
0x18b: {  	v17 =	vadd.f32 v18, v17  }
0x18c: {  	p0 =	sne.s32 s19, $0x7  }
.Ltmp0:
0x18d: {  	v17 =	vadd.f32 v19, v17;
	(pc) =	sbr.rel @p0 .LBB2_3-.Ltmp0, $4  }
0x18e: {  	_ = 	snop  }
0x18f: {  	s31 =	sshll.u32 s19, $0x4;
	v17 =	vadd.f32 v63, v17  }
0x190: {  	s20 =	sand.u32 $0x3FFFFFF0, s31  }
0x191: {  	s19 =	sadd.s32 $0x1, s19;
	[tilespmem:v16+s20+$0x0 ss:$0x1] =	vst.idx.msk $0xffff, v17  }
0x192: {  	s18 =	sadd.s32 $0x1, s18  }
0x193: {  	p0 =	sne.s32 s18, $0x4F  }
.Ltmp1:
0x194: {  	_ = 	snop;
	(pc) =	sbr.rel @p0 .LBB2_2-.Ltmp1, $1  }
0x195: {  	_ =	sdelay $0x3  }
0x196: {  	s17 =	sadd.s32 $0x1, s17  }
0x197: {  	p0 =	sne.s32 s17, s7  }
.Ltmp2:
0x198: {  	_ = 	snop;
	(pc) =	sbr.rel @p0 .LBB2_1-.Ltmp2, $4  }
0x199: {  	[hbm4b:s6+s2] =	stream.linear.scatter [tilespmem:s16], [sflag:$0x3], $0x2780, $0x38;
	[tilespmem:$0xF900] =	vst v63  }
0x19a: {  	_ =	swait.ge [sflag:s8], $0x2780  }
0x19b: {  	[sflag:s8] =	ssyncset.done $0x0  }
0x19c: {  	[sflag:s8] =	ssyncadd.s32 $0xFFFFD880  }
0x19d: {  	_ =	sfence.sel $0x180000  }
0x19e: {  	[bflag:$0x0] =	sbarrier.arrive $0xFFFF  }
0x19f: {  	p0 =	sne.s32 s0, $0x0;
	_ =	strace $0x90000047  }
0x1a0: {  	s0 =	sadd.s32 @!p0 $0x100000, s1;
	[bflag:$0x2] =	sbarrier.arrive $0xFFFF  }
0x1a1: {  	[sflag:s0] =	ssyncadd.tile.s32 @!p0 $0x1;
	_ =	shalt  }
.Lfunc_end2:
_tile_overlayer_lowered:
.L_overlay_start_2:
0x1a2: {  	(tag) =	ssettag $0x2  }
0x1a3: {  	s0 =	rddreg [dreg:$0x0];
	s2 =	stileid.u32  }
0x1a4: {  	s1 =	rddreg [dreg:$0x1];
	p0 =	sne.s32 s2, $0x0  }
0x1a5: {  	s3 =	rddreg [dreg:$0x2];
	[bflag:$0x3] =	sbarrier.arrive $0xFFFF;
	s2 =	simm.s32 @!p0 $0x1C03  }
0x1a6: {  	[timem:s3], [sflag:s2] =	dma.local @!p0 [hbm:s0], s1  }
0x1a7: {  	s0 =	simm.s32 @!p0 $0x3  }
0x1a8: {  	_ =	swait.ge @!p0 [sflag:s0], s1  }
0x1a9: {  	s1 =	ssub.s32 @!p0 $0x0, s1;
	[sflag:s0] =	ssyncset.done @!p0 $0x0  }
0x1aa: {  	[sflag:s0] =	ssyncadd.s32 @!p0 s1  }
0x1ab: {  	[bflag:$0x3] =	sbarrier.arrive $0xFFFF  }
0x1ac: {  	_ =	shalt  }

</sc_bundles>
